<compile_context>
chip_gen: v7x
topology: tpu7x:2x2x1
jax: 0.10.2.dev20260603
libtpu: 0.0.44.dev20260713+nightly
codegen_flags: <defaults>
</compile_context>

<pallas_src>
import functools

import jax
import jax.numpy as jnp
from jax import lax
from jax.experimental import pallas as pl
from jax.experimental.pallas import tpu as pltpu
from jax.experimental.pallas import tpu_sc as plsc

H = 1024
W = 1024
C = 16
HW = H * W
N = 200000
LAMBDA_PSEUDO = 0.001
LOSS_WEIGHT = 1.0
EPS = 1e-9

NW = 32
CHUNK = 6272
N_PAD = NW * CHUNK
SUB = 2
SC_B = CHUNK // SUB
ZB = 8192
SL = HW // 16

DB = 1600

_mesh = plsc.VectorSubcoreMesh(core_axis_name="c", subcore_axis_name="s")
_sc_params = pltpu.CompilerParams(use_tc_tiling_on_sc=False)


@functools.partial(
    pl.kernel,
    compiler_params=_sc_params,
    out_type=(
        jax.ShapeDtypeStruct((HW,), jnp.float32),
        jax.ShapeDtypeStruct((HW,), jnp.float32),
    ),
    mesh=_mesh,
    scratch_types=(
        pltpu.VMEM((CHUNK,), jnp.int32),
        pltpu.VMEM((CHUNK,), jnp.float32),
        pltpu.VMEM((ZB,), jnp.float32),
        pltpu.VMEM_SHARED((HW,), jnp.float32),
    ),
)
def _sc_count(pos_hbm, vals_hbm, cnt0_hbm, cnt1_hbm, idx_v, vals_v, zbuf, cnt_sh):
    cid = lax.axis_index("c")
    sid = lax.axis_index("s")
    wid = sid * 2 + cid
    base = wid * CHUNK

    pltpu.sync_copy(pos_hbm.at[pl.ds(base, CHUNK)], idx_v)
    pltpu.sync_copy(vals_hbm.at[pl.ds(base, CHUNK)], vals_v)

    @pl.loop(0, ZB // 16)
    def _(i):
        zbuf[pl.ds(i * 16, 16)] = jnp.zeros((16,), jnp.float32)

    @pl.loop(0, SL // ZB)
    def _(j):
        pltpu.sync_copy(zbuf, cnt_sh.at[pl.ds(sid * SL + j * ZB, ZB)])

    plsc.subcore_barrier()

    pltpu.sync_copy(vals_v, cnt_sh.at[idx_v], add=True)

    plsc.subcore_barrier()

    @pl.when(cid == 0)
    def _():
        @pl.loop(0, SL // ZB)
        def _(j):
            off = sid * SL + j * ZB
            pltpu.sync_copy(cnt_sh.at[pl.ds(off, ZB)], zbuf)
            pltpu.sync_copy(zbuf, cnt0_hbm.at[pl.ds(off, ZB)])

    @pl.when(cid == 1)
    def _():
        @pl.loop(0, SL // ZB)
        def _(j):
            off = sid * SL + j * ZB
            pltpu.sync_copy(cnt_sh.at[pl.ds(off, ZB)], zbuf)
            pltpu.sync_copy(zbuf, cnt1_hbm.at[pl.ds(off, ZB)])


@functools.partial(
    pl.kernel,
    compiler_params=_sc_params,
    out_type=jax.ShapeDtypeStruct((N_PAD,), jnp.float32),
    mesh=_mesh,
    scratch_types=(
        pltpu.VMEM((CHUNK,), jnp.int32),
        pltpu.VMEM((CHUNK,), jnp.float32),
        pltpu.VMEM((CHUNK,), jnp.float32),
        pltpu.SemaphoreType.DMA,
    ),
)
def _sc_count_to_weight(pos_hbm, cnt0_hbm, cnt1_hbm, w_hbm,
                        idx_v, c0_v, c1_v, sem):
    cid = lax.axis_index("c")
    sid = lax.axis_index("s")
    wid = sid * 2 + cid
    base = wid * CHUNK

    pltpu.sync_copy(pos_hbm.at[pl.ds(base, CHUNK)], idx_v)
    pltpu.async_copy(cnt0_hbm.at[idx_v], c0_v, sem).wait()
    pltpu.async_copy(cnt1_hbm.at[idx_v], c1_v, sem).wait()

    @pl.loop(0, CHUNK // 16)
    def _(k):
        s = pl.ds(k * 16, 16)
        c0_v[s] = 1.0 / (c0_v[s] + c1_v[s])

    pltpu.sync_copy(c0_v, w_hbm.at[pl.ds(base, CHUNK)])


@functools.partial(
    pl.kernel,
    compiler_params=_sc_params,
    out_type=jax.ShapeDtypeStruct((N_PAD, C), jnp.float32),
    mesh=_mesh,
    scratch_types=(
        pltpu.VMEM((CHUNK,), jnp.int32),
        pltpu.VMEM((SC_B, C), jnp.float32),
        pltpu.SemaphoreType.DMA,
    ),
)
def _sc_gather_rows(pos_hbm, lp_hbm, g_hbm, idx_v, rows_v, sem):
    cid = lax.axis_index("c")
    sid = lax.axis_index("s")
    wid = sid * 2 + cid
    base = wid * CHUNK

    pltpu.sync_copy(pos_hbm.at[pl.ds(base, CHUNK)], idx_v)

    @pl.loop(0, SUB)
    def _(t):
        pltpu.async_copy(lp_hbm.at[idx_v.at[pl.ds(t * SC_B, SC_B)]],
                         rows_v, sem).wait()
        pltpu.sync_copy(rows_v, g_hbm.at[pl.ds(base + t * SC_B, SC_B)])


def _tc_log_pass(hdt2):
    def body(x_ref, s_ref, lp_ref):
        @pl.when(pl.program_id(0) == 0)
        def _():
            s_ref[0, 0] = 0.0
        lg = jnp.log(x_ref[...] + EPS)
        s_ref[0, 0] += jnp.sum(lg)
        lp_ref[...] = lg.T

    scalar_out = pl.BlockSpec(block_shape=(1, 1), index_map=lambda i: (0, 0),
                              memory_space=pltpu.SMEM)
    return pl.pallas_call(
        body,
        grid=(H,),
        in_specs=[pl.BlockSpec((C, W), lambda i: (i, 0))],
        out_specs=(scalar_out, pl.BlockSpec((W, C), lambda i: (i, 0))),
        out_shape=(
            jax.ShapeDtypeStruct((1, 1), jnp.float32),
            jax.ShapeDtypeStruct((HW, C), jnp.float32),
        ),
    )(hdt2)


def _tc_point_terms(g2, z2, w2):
    def body(g_ref, z_ref, w_ref, t_ref, m_ref, n_ref):
        @pl.when(pl.program_id(0) == 0)
        def _():
            t_ref[0, 0] = 0.0
            m_ref[0, 0] = 0.0
            n_ref[0, 0] = 0.0
        gb = g_ref[...]
        t_ref[0, 0] += jnp.sum(z_ref[...] * gb)
        lane = lax.broadcasted_iota(jnp.int32, (8, 128), 1)
        row = lax.broadcasted_iota(jnp.int32, (8, 128), 0)
        expand = jnp.where(lane // 16 == row, 1.0, 0.0)
        wexp = jnp.dot(w_ref[...], expand, preferred_element_type=jnp.float32)
        m_ref[0, 0] += jnp.sum(wexp * gb)
        n_ref[0, 0] += jnp.sum(w_ref[...])

    scalar_out = pl.BlockSpec(block_shape=(1, 1), index_map=lambda i: (0, 0),
                              memory_space=pltpu.SMEM)
    return pl.pallas_call(
        body,
        grid=(125,),
        in_specs=[
            pl.BlockSpec((200, 128), lambda i: (i, 0)),
            pl.BlockSpec((200, 128), lambda i: (i, 0)),
            pl.BlockSpec((200, 8), lambda i: (i, 0)),
        ],
        out_specs=(scalar_out, scalar_out, scalar_out),
        out_shape=(
            jax.ShapeDtypeStruct((1, 1), jnp.float32),
            jax.ShapeDtypeStruct((1, 1), jnp.float32),
            jax.ShapeDtypeStruct((1, 1), jnp.float32),
        ),
    )(g2, z2, w2)


def kernel(height_distribution, z_prob, bev_ind):
    hdt2 = jnp.transpose(height_distribution, (0, 2, 1)).reshape(H * C, W)

    pos = bev_ind[:, 0] * W + bev_ind[:, 1]
    pos_pad = jnp.concatenate(
        [pos, jnp.broadcast_to(pos[N - 1:N], (N_PAD - N,))])
    vals = jnp.concatenate(
        [jnp.ones((N,), jnp.float32), jnp.zeros((N_PAD - N,), jnp.float32)])

    cnt0, cnt1 = _sc_count(pos_pad, vals)
    w = _sc_count_to_weight(pos_pad, cnt0, cnt1)

    total_s, log_pred = _tc_log_pass(hdt2)
    g = _sc_gather_rows(pos_pad, log_pred)

    t_sum, m_sum, w_sum = _tc_point_terms(
        g.reshape(N_PAD // 8, 128), z_prob.reshape(N // 8, 128),
        w.reshape(N_PAD // 8, 8))

    loss_true_mean = -t_sum[0, 0] / N
    num_pseudo = HW - w_sum[0, 0]
    loss_pseudo = -(total_s[0, 0] - m_sum[0, 0]) / C / num_pseudo
    total = LOSS_WEIGHT * (loss_true_mean + LAMBDA_PSEUDO * loss_pseudo)
    return jnp.reshape(total, (1,))

# --- scband reference (transcript-rebuilt; emitter-appended) ---
"""Pipeline reference for scband-soft-cross-entropy-loss-62483184222888 (READ-ONLY COPY).

The authoritative reference and input builder live on the scoring server;
editing this copy changes nothing except your own understanding.
"""

import jax, jax.numpy as jnp
import numpy as np

H, W, C = 1024, 1024, 16
N = 200000
LAMBDA_PSEUDO = 0.001
LOSS_WEIGHT = 1.0

def setup_inputs(seed: int = 0) -> dict:
    key = jax.random.key(seed)
    k1, k2, k3 = jax.random.split(key, 3)
    height_distribution = jax.random.uniform(k1, (H, W, C), dtype=jnp.float32)
    z_prob = jax.random.uniform(k2, (N, C), dtype=jnp.float32)
    bev_ind = jax.random.randint(k3, (N, 2), 0, H, dtype=jnp.int32)
    return {"height_distribution": height_distribution, "z_prob": z_prob, "bev_ind": bev_ind}

def reference(height_distribution, z_prob, bev_ind):
    h, w, num_classes = height_distribution.shape
    pseudo_labels = jnp.full_like(height_distribution, 1.0 / num_classes)
    target_distribution = pseudo_labels.at[bev_ind[:, 0], bev_ind[:, 1], :].set(z_prob)
    mask = jnp.zeros((h, w), dtype=bool).at[bev_ind[:, 0], bev_ind[:, 1]].set(True)
    log_pred = jnp.log(height_distribution + 1e-09)
    loss = -jnp.sum(target_distribution * log_pred, axis=-1)
    loss = loss[None, :, :]
    loss_true = loss[:, bev_ind[:, 0], bev_ind[:, 1]]
    mask_not = ~mask
    loss_pseudo_sum = jnp.sum(loss * mask_not[None, :, :], axis=(1, 2))
    num_pseudo = jnp.sum(mask_not)
    total_loss = loss_true.sum(-1) / loss_true.shape[1] + LAMBDA_PSEUDO * (loss_pseudo_sum / num_pseudo)
    return LOSS_WEIGHT * total_loss

if __name__ == "__main__":
    import jax
    _d = setup_inputs()
    print(jax.jit(kernel)(*tuple(_d.values())))

</pallas_src>

<mosaic_0001>
#map = affine_map<(d0, d1) -> (0)>
module attributes {stable_mosaic.version = 14 : i64} {
  func.func @_sc_count_to_weight(%arg0: i32, %arg1: i32, %arg2: memref<200704xi32, #tpu.memory_space<hbm>>, %arg3: memref<1048576xf32, #tpu.memory_space<hbm>>, %arg4: memref<1048576xf32, #tpu.memory_space<hbm>>, %arg5: memref<200704xf32, #tpu.memory_space<hbm>>, %arg6: memref<6272xi32, #tpu.memory_space<vmem>>, %arg7: memref<6272xf32, #tpu.memory_space<vmem>>, %arg8: memref<6272xf32, #tpu.memory_space<vmem>>, %arg9: memref<!tpu.dma_semaphore, #tpu.memory_space<semaphore_mem>>) attributes {dimension_semantics = [#tpu.dimension_semantics<core_parallel>, #tpu.dimension_semantics<subcore_parallel>], iteration_bounds = array<i64: 2, 16>, scalar_prefetch = 0 : i64, scratch_operands = 4 : i64, tpu.core_type = #tpu.core_type<sc_vector_subcore>, window_params = [{transform_indices = #map}, {transform_indices = #map}, {transform_indices = #map}, {transform_indices = #map}]} {
    %mul3A = arith.constant 2 : i32
    %mul3A_0 = arith.muli %arg1, %mul3A : i32
    %add3A = arith.addi %mul3A_0, %arg0 : i32
    %mul3A_1 = arith.constant 6272 : i32
    %mul3A_2 = arith.muli %add3A, %mul3A_1 : i32
    "tpu.region"() ({
      %run_scoped3A = tpu.sem_alloc : memref<!tpu.dma_semaphore, #tpu.memory_space<semaphore_mem>>
      %dma_start3A_13 = tpu.memref_slice %arg2[%mul3A_2] : memref<200704xi32, #tpu.memory_space<hbm>> -> memref<6272xi32, #tpu.memory_space<hbm>>
      %dma_start3A_14 = tpu.memref_slice %arg2[%mul3A_2] : memref<200704xi32, #tpu.memory_space<hbm>> -> memref<6272xi32, #tpu.memory_space<hbm>>
      tpu.enqueue_dma source(%dma_start3A_14 : memref<6272xi32, #tpu.memory_space<hbm>>) target(%arg6 : memref<6272xi32, #tpu.memory_space<vmem>>) target_semaphore(%run_scoped3A : memref<!tpu.dma_semaphore, #tpu.memory_space<semaphore_mem>>)
      %dma_wait3A_15 = tpu.memref_slice %arg2[%mul3A_2] : memref<200704xi32, #tpu.memory_space<hbm>> -> memref<6272xi32, #tpu.memory_space<hbm>>
      %dma_wait3A_16 = tpu.memref_slice %arg2[%mul3A_2] : memref<200704xi32, #tpu.memory_space<hbm>> -> memref<6272xi32, #tpu.memory_space<hbm>>
      tpu.wait_dma2 semaphore(%run_scoped3A : memref<!tpu.dma_semaphore, #tpu.memory_space<semaphore_mem>>) src(%dma_wait3A_16 : memref<6272xi32, #tpu.memory_space<hbm>>) dst(%arg6 : memref<6272xi32, #tpu.memory_space<vmem>>)
      tpu.yield
    }) : () -> ()
    %dma_start3A = arith.constant 0 : i32
    %dma_start3A_3 = tpu.memref_slice %arg3[%dma_start3A] : memref<1048576xf32, #tpu.memory_space<hbm>> -> memref<1048576xf32, #tpu.memory_space<hbm>>
    tpu.enqueue_indirect_dma source(%dma_start3A_3 : memref<1048576xf32, #tpu.memory_space<hbm>>) target(%arg7 : memref<6272xf32, #tpu.memory_space<vmem>>) offsets(%arg6 : memref<6272xi32, #tpu.memory_space<vmem>>) semaphore(%arg9 : memref<!tpu.dma_semaphore, #tpu.memory_space<semaphore_mem>>)
    %dma_wait3A = arith.constant 0 : i32
    %dma_wait3A_4 = tpu.memref_slice %arg3[%dma_wait3A] : memref<1048576xf32, #tpu.memory_space<hbm>> -> memref<1048576xf32, #tpu.memory_space<hbm>>
    tpu.wait_indirect_dma semaphore(%arg9 : memref<!tpu.dma_semaphore, #tpu.memory_space<semaphore_mem>>) src(%dma_wait3A_4 : memref<1048576xf32, #tpu.memory_space<hbm>>) dst(%arg7 : memref<6272xf32, #tpu.memory_space<vmem>>)
    %dma_start3A_5 = arith.constant 0 : i32
    %dma_start3A_6 = tpu.memref_slice %arg4[%dma_start3A_5] : memref<1048576xf32, #tpu.memory_space<hbm>> -> memref<1048576xf32, #tpu.memory_space<hbm>>
    tpu.enqueue_indirect_dma source(%dma_start3A_6 : memref<1048576xf32, #tpu.memory_space<hbm>>) target(%arg8 : memref<6272xf32, #tpu.memory_space<vmem>>) offsets(%arg6 : memref<6272xi32, #tpu.memory_space<vmem>>) semaphore(%arg9 : memref<!tpu.dma_semaphore, #tpu.memory_space<semaphore_mem>>)
    %dma_wait3A_7 = arith.constant 0 : i32
    %dma_wait3A_8 = tpu.memref_slice %arg4[%dma_wait3A_7] : memref<1048576xf32, #tpu.memory_space<hbm>> -> memref<1048576xf32, #tpu.memory_space<hbm>>
    tpu.wait_indirect_dma semaphore(%arg9 : memref<!tpu.dma_semaphore, #tpu.memory_space<semaphore_mem>>) src(%dma_wait3A_8 : memref<1048576xf32, #tpu.memory_space<hbm>>) dst(%arg8 : memref<6272xf32, #tpu.memory_space<vmem>>)
    %scan3A = arith.constant 0 : i32
    %scan3A_9 = arith.constant 392 : i32
    %scan3A_10 = arith.addi %scan3A, %scan3A_9 : i32
    %scan3A_11 = arith.constant 1 : i32
    scf.for %scan3A_13 = %scan3A to %scan3A_10 step %scan3A_11  : i32 {
      %mul3A_14 = arith.constant 1 : i32
      %mul3A_15 = arith.muli %scan3A_13, %mul3A_14 : i32
      %add3A_16 = arith.constant 0 : i32
      %add3A_17 = arith.addi %add3A_16, %mul3A_15 : i32
      %mul3A_18 = arith.constant 16 : i32
      %mul3A_19 = arith.muli %add3A_17, %mul3A_18 : i32
      %get3A = arith.index_cast %mul3A_19 : i32 to index
      %get3A_20 = tpu.vector_load %arg7[%get3A] {strides = array<i32>} : memref<6272xf32, #tpu.memory_space<vmem>>, vector<16xf32>,
      %get3A_21 = vector.shape_cast %get3A_20 : vector<16xf32> to vector<16xf32>
      %get3A_22 = arith.index_cast %mul3A_19 : i32 to index
      %get3A_23 = tpu.vector_load %arg8[%get3A_22] {strides = array<i32>} : memref<6272xf32, #tpu.memory_space<vmem>>, vector<16xf32>,
      %get3A_24 = vector.shape_cast %get3A_23 : vector<16xf32> to vector<16xf32>
      %add3A_25 = arith.addf %get3A_21, %get3A_24 : vector<16xf32>
      %div3A = arith.constant 1.000000e+00 : f32
      %div3A_26 = vector.broadcast %div3A : f32 to vector<16xf32>
      %div3A_27 = arith.divf %div3A_26, %add3A_25 : vector<16xf32>
      %swap3A = arith.index_cast %mul3A_19 : i32 to index
      %swap3A_28 = tpu.vector_load %arg7[%swap3A] {strides = array<i32>} : memref<6272xf32, #tpu.memory_space<vmem>>, vector<16xf32>,
      %swap3A_29 = vector.shape_cast %swap3A_28 : vector<16xf32> to vector<16xf32>
      %swap3A_30 = vector.shape_cast %div3A_27 : vector<16xf32> to vector<16xf32>
      tpu.vector_store %arg7[%swap3A], %swap3A_30 {strides = array<i32>} : memref<6272xf32, #tpu.memory_space<vmem>>, vector<16xf32>,
    }
    %scan3A_12 = arith.constant 392 : i32
    "tpu.region"() ({
      %run_scoped3A = tpu.sem_alloc : memref<!tpu.dma_semaphore, #tpu.memory_space<semaphore_mem>>
      %dma_start3A_13 = tpu.memref_slice %arg5[%mul3A_2] : memref<200704xf32, #tpu.memory_space<hbm>> -> memref<6272xf32, #tpu.memory_space<hbm>>
      %dma_start3A_14 = tpu.memref_slice %arg5[%mul3A_2] : memref<200704xf32, #tpu.memory_space<hbm>> -> memref<6272xf32, #tpu.memory_space<hbm>>
      tpu.enqueue_dma source(%arg7 : memref<6272xf32, #tpu.memory_space<vmem>>) target(%dma_start3A_14 : memref<6272xf32, #tpu.memory_space<hbm>>) target_semaphore(%run_scoped3A : memref<!tpu.dma_semaphore, #tpu.memory_space<semaphore_mem>>)
      %dma_wait3A_15 = tpu.memref_slice %arg5[%mul3A_2] : memref<200704xf32, #tpu.memory_space<hbm>> -> memref<6272xf32, #tpu.memory_space<hbm>>
      %dma_wait3A_16 = tpu.memref_slice %arg5[%mul3A_2] : memref<200704xf32, #tpu.memory_space<hbm>> -> memref<6272xf32, #tpu.memory_space<hbm>>
      tpu.wait_dma2 semaphore(%run_scoped3A : memref<!tpu.dma_semaphore, #tpu.memory_space<semaphore_mem>>) src(%arg7 : memref<6272xf32, #tpu.memory_space<vmem>>) dst(%dma_wait3A_16 : memref<6272xf32, #tpu.memory_space<hbm>>)
      tpu.yield
    }) : () -> ()
    return
  }
}

#map = affine_map<(d0, d1) -> (0)>
module attributes {stable_mosaic.version = 14 : i64} {
  func.func @_sc_count(%arg0: i32, %arg1: i32, %arg2: memref<200704xi32, #tpu.memory_space<hbm>>, %arg3: memref<200704xf32, #tpu.memory_space<hbm>>, %arg4: memref<1048576xf32, #tpu.memory_space<hbm>>, %arg5: memref<1048576xf32, #tpu.memory_space<hbm>>, %arg6: memref<6272xi32, #tpu.memory_space<vmem>>, %arg7: memref<6272xf32, #tpu.memory_space<vmem>>, %arg8: memref<8192xf32, #tpu.memory_space<vmem>>, %arg9: memref<1048576xf32, #tpu.memory_space<vmem_shared>>) attributes {dimension_semantics = [#tpu.dimension_semantics<core_parallel>, #tpu.dimension_semantics<subcore_parallel>], iteration_bounds = array<i64: 2, 16>, scalar_prefetch = 0 : i64, scratch_operands = 4 : i64, tpu.core_type = #tpu.core_type<sc_vector_subcore>, window_params = [{transform_indices = #map}, {transform_indices = #map}, {transform_indices = #map}, {transform_indices = #map}]} {
    %mul3A = arith.constant 2 : i32
    %mul3A_0 = arith.muli %arg1, %mul3A : i32
    %add3A = arith.addi %mul3A_0, %arg0 : i32
    %mul3A_1 = arith.constant 6272 : i32
    %mul3A_2 = arith.muli %add3A, %mul3A_1 : i32
    "tpu.region"() ({
      %run_scoped3A = tpu.sem_alloc : memref<!tpu.dma_semaphore, #tpu.memory_space<semaphore_mem>>
      %dma_start3A = tpu.memref_slice %arg2[%mul3A_2] : memref<200704xi32, #tpu.memory_space<hbm>> -> memref<6272xi32, #tpu.memory_space<hbm>>
      %dma_start3A_20 = tpu.memref_slice %arg2[%mul3A_2] : memref<200704xi32, #tpu.memory_space<hbm>> -> memref<6272xi32, #tpu.memory_space<hbm>>
      tpu.enqueue_dma source(%dma_start3A_20 : memref<6272xi32, #tpu.memory_space<hbm>>) target(%arg6 : memref<6272xi32, #tpu.memory_space<vmem>>) target_semaphore(%run_scoped3A : memref<!tpu.dma_semaphore, #tpu.memory_space<semaphore_mem>>)
      %dma_wait3A = tpu.memref_slice %arg2[%mul3A_2] : memref<200704xi32, #tpu.memory_space<hbm>> -> memref<6272xi32, #tpu.memory_space<hbm>>
      %dma_wait3A_21 = tpu.memref_slice %arg2[%mul3A_2] : memref<200704xi32, #tpu.memory_space<hbm>> -> memref<6272xi32, #tpu.memory_space<hbm>>
      tpu.wait_dma2 semaphore(%run_scoped3A : memref<!tpu.dma_semaphore, #tpu.memory_space<semaphore_mem>>) src(%dma_wait3A_21 : memref<6272xi32, #tpu.memory_space<hbm>>) dst(%arg6 : memref<6272xi32, #tpu.memory_space<vmem>>)
      tpu.yield
    }) : () -> ()
    "tpu.region"() ({
      %run_scoped3A = tpu.sem_alloc : memref<!tpu.dma_semaphore, #tpu.memory_space<semaphore_mem>>
      %dma_start3A = tpu.memref_slice %arg3[%mul3A_2] : memref<200704xf32, #tpu.memory_space<hbm>> -> memref<6272xf32, #tpu.memory_space<hbm>>
      %dma_start3A_20 = tpu.memref_slice %arg3[%mul3A_2] : memref<200704xf32, #tpu.memory_space<hbm>> -> memref<6272xf32, #tpu.memory_space<hbm>>
      tpu.enqueue_dma source(%dma_start3A_20 : memref<6272xf32, #tpu.memory_space<hbm>>) target(%arg7 : memref<6272xf32, #tpu.memory_space<vmem>>) target_semaphore(%run_scoped3A : memref<!tpu.dma_semaphore, #tpu.memory_space<semaphore_mem>>)
      %dma_wait3A = tpu.memref_slice %arg3[%mul3A_2] : memref<200704xf32, #tpu.memory_space<hbm>> -> memref<6272xf32, #tpu.memory_space<hbm>>
      %dma_wait3A_21 = tpu.memref_slice %arg3[%mul3A_2] : memref<200704xf32, #tpu.memory_space<hbm>> -> memref<6272xf32, #tpu.memory_space<hbm>>
      tpu.wait_dma2 semaphore(%run_scoped3A : memref<!tpu.dma_semaphore, #tpu.memory_space<semaphore_mem>>) src(%dma_wait3A_21 : memref<6272xf32, #tpu.memory_space<hbm>>) dst(%arg7 : memref<6272xf32, #tpu.memory_space<vmem>>)
      tpu.yield
    }) : () -> ()
    %scan3A = arith.constant 0 : i32
    %scan3A_3 = arith.constant 512 : i32
    %scan3A_4 = arith.addi %scan3A, %scan3A_3 : i32
    %scan3A_5 = arith.constant 1 : i32
    scf.for %scan3A_20 = %scan3A to %scan3A_4 step %scan3A_5  : i32 {
      %mul3A_21 = arith.constant 1 : i32
      %mul3A_22 = arith.muli %scan3A_20, %mul3A_21 : i32
      %add3A_23 = arith.constant 0 : i32
      %add3A_24 = arith.addi %add3A_23, %mul3A_22 : i32
      %broadcast_in_dim3A = arith.constant 0.000000e+00 : f32
      %broadcast_in_dim3A_25 = vector.broadcast %broadcast_in_dim3A : f32 to vector<16xf32>
      %mul3A_26 = arith.constant 16 : i32
      %mul3A_27 = arith.muli %add3A_24, %mul3A_26 : i32
      %swap3A = arith.index_cast %mul3A_27 : i32 to index
      %swap3A_28 = tpu.vector_load %arg8[%swap3A] {strides = array<i32>} : memref<8192xf32, #tpu.memory_space<vmem>>, vector<16xf32>,
      %swap3A_29 = vector.shape_cast %swap3A_28 : vector<16xf32> to vector<16xf32>
      %swap3A_30 = vector.shape_cast %broadcast_in_dim3A_25 : vector<16xf32> to vector<16xf32>
      tpu.vector_store %arg8[%swap3A], %swap3A_30 {strides = array<i32>} : memref<8192xf32, #tpu.memory_space<vmem>>, vector<16xf32>,
    }
    %scan3A_6 = arith.constant 512 : i32
    %scan3A_7 = arith.constant 0 : i32
    %scan3A_8 = arith.constant 8 : i32
    %scan3A_9 = arith.addi %scan3A_7, %scan3A_8 : i32
    %scan3A_10 = arith.constant 1 : i32
    scf.for %scan3A_20 = %scan3A_7 to %scan3A_9 step %scan3A_10  : i32 {
      %mul3A_21 = arith.constant 1 : i32
      %mul3A_22 = arith.muli %scan3A_20, %mul3A_21 : i32
      %add3A_23 = arith.constant 0 : i32
      %add3A_24 = arith.addi %add3A_23, %mul3A_22 : i32
      %mul3A_25 = arith.constant 65536 : i32
      %mul3A_26 = arith.muli %arg1, %mul3A_25 : i32
      %mul3A_27 = arith.constant 8192 : i32
      %mul3A_28 = arith.muli %add3A_24, %mul3A_27 : i32
      %add3A_29 = arith.addi %mul3A_26, %mul3A_28 : i32
      "tpu.region"() ({
        %run_scoped3A = tpu.sem_alloc : memref<!tpu.dma_semaphore, #tpu.memory_space<semaphore_mem>>
        %dma_start3A = tpu.memref_slice %arg9[%add3A_29] : memref<1048576xf32, #tpu.memory_space<vmem_shared>> -> memref<8192xf32, #tpu.memory_space<vmem_shared>>
        %dma_start3A_30 = tpu.memref_slice %arg9[%add3A_29] : memref<1048576xf32, #tpu.memory_space<vmem_shared>> -> memref<8192xf32, #tpu.memory_space<vmem_shared>>
        tpu.enqueue_dma source(%arg8 : memref<8192xf32, #tpu.memory_space<vmem>>) target(%dma_start3A_30 : memref<8192xf32, #tpu.memory_space<vmem_shared>>) target_semaphore(%run_scoped3A : memref<!tpu.dma_semaphore, #tpu.memory_space<semaphore_mem>>)
        %dma_wait3A = tpu.memref_slice %arg9[%add3A_29] : memref<1048576xf32, #tpu.memory_space<vmem_shared>> -> memref<8192xf32, #tpu.memory_space<vmem_shared>>
        %dma_wait3A_31 = tpu.memref_slice %arg9[%add3A_29] : memref<1048576xf32, #tpu.memory_space<vmem_shared>> -> memref<8192xf32, #tpu.memory_space<vmem_shared>>
        tpu.wait_dma2 semaphore(%run_scoped3A : memref<!tpu.dma_semaphore, #tpu.memory_space<semaphore_mem>>) src(%arg8 : memref<8192xf32, #tpu.memory_space<vmem>>) dst(%dma_wait3A_31 : memref<8192xf32, #tpu.memory_space<vmem_shared>>)
        tpu.yield
      }) : () -> ()
    }
    %scan3A_11 = arith.constant 8 : i32
    %barrier3A = arith.constant 0 : index
    tpu.barrier barrier_id(%barrier3A)
    "tpu.region"() ({
      %run_scoped3A = tpu.sem_alloc : memref<!tpu.dma_semaphore, #tpu.memory_space<semaphore_mem>>
      %dma_start3A = arith.constant 0 : i32
      %dma_start3A_20 = tpu.memref_slice %arg9[%dma_start3A] : memref<1048576xf32, #tpu.memory_space<vmem_shared>> -> memref<1048576xf32, #tpu.memory_space<vmem_shared>>
      tpu.enqueue_indirect_dma source(%arg7 : memref<6272xf32, #tpu.memory_space<vmem>>) target(%dma_start3A_20 : memref<1048576xf32, #tpu.memory_space<vmem_shared>>) offsets(%arg6 : memref<6272xi32, #tpu.memory_space<vmem>>) semaphore(%run_scoped3A : memref<!tpu.dma_semaphore, #tpu.memory_space<semaphore_mem>>) {add = true}
      %dma_wait3A = arith.constant 0 : i32
      %dma_wait3A_21 = tpu.memref_slice %arg9[%dma_wait3A] : memref<1048576xf32, #tpu.memory_space<vmem_shared>> -> memref<1048576xf32, #tpu.memory_space<vmem_shared>>
      tpu.wait_indirect_dma semaphore(%run_scoped3A : memref<!tpu.dma_semaphore, #tpu.memory_space<semaphore_mem>>) src(%arg7 : memref<6272xf32, #tpu.memory_space<vmem>>) dst(%dma_wait3A_21 : memref<1048576xf32, #tpu.memory_space<vmem_shared>>)
      tpu.yield
    }) : () -> ()
    %barrier3A_12 = arith.constant 0 : index
    tpu.barrier barrier_id(%barrier3A_12)
    %eq3A = arith.constant 0 : i32
    %eq3A_13 = arith.cmpi eq, %arg0, %eq3A : i32
    %convert_element_type3A = arith.extui %eq3A_13 : i1 to i32
    %cond3A = arith.constant 0 : i32
    %cond3A_14 = arith.cmpi ne, %convert_element_type3A, %cond3A : i32
    scf.if %cond3A_14 {
      %scan3A_20 = arith.constant 0 : i32
      %scan3A_21 = arith.constant 8 : i32
      %scan3A_22 = arith.addi %scan3A_20, %scan3A_21 : i32
      %scan3A_23 = arith.constant 1 : i32
      scf.for %scan3A_25 = %scan3A_20 to %scan3A_22 step %scan3A_23  : i32 {
        %mul3A_26 = arith.constant 1 : i32
        %mul3A_27 = arith.muli %scan3A_25, %mul3A_26 : i32
        %add3A_28 = arith.constant 0 : i32
        %add3A_29 = arith.addi %add3A_28, %mul3A_27 : i32
        %mul3A_30 = arith.constant 65536 : i32
        %mul3A_31 = arith.muli %arg1, %mul3A_30 : i32
        %mul3A_32 = arith.constant 8192 : i32
        %mul3A_33 = arith.muli %add3A_29, %mul3A_32 : i32
        %add3A_34 = arith.addi %mul3A_31, %mul3A_33 : i32
        "tpu.region"() ({
          %run_scoped3A = tpu.sem_alloc : memref<!tpu.dma_semaphore, #tpu.memory_space<semaphore_mem>>
          %dma_start3A = tpu.memref_slice %arg9[%add3A_34] : memref<1048576xf32, #tpu.memory_space<vmem_shared>> -> memref<8192xf32, #tpu.memory_space<vmem_shared>>
          %dma_start3A_35 = tpu.memref_slice %arg9[%add3A_34] : memref<1048576xf32, #tpu.memory_space<vmem_shared>> -> memref<8192xf32, #tpu.memory_space<vmem_shared>>
          tpu.enqueue_dma source(%dma_start3A_35 : memref<8192xf32, #tpu.memory_space<vmem_shared>>) target(%arg8 : memref<8192xf32, #tpu.memory_space<vmem>>) target_semaphore(%run_scoped3A : memref<!tpu.dma_semaphore, #tpu.memory_space<semaphore_mem>>)
          %dma_wait3A = tpu.memref_slice %arg9[%add3A_34] : memref<1048576xf32, #tpu.memory_space<vmem_shared>> -> memref<8192xf32, #tpu.memory_space<vmem_shared>>
          %dma_wait3A_36 = tpu.memref_slice %arg9[%add3A_34] : memref<1048576xf32, #tpu.memory_space<vmem_shared>> -> memref<8192xf32, #tpu.memory_space<vmem_shared>>
          tpu.wait_dma2 semaphore(%run_scoped3A : memref<!tpu.dma_semaphore, #tpu.memory_space<semaphore_mem>>) src(%dma_wait3A_36 : memref<8192xf32, #tpu.memory_space<vmem_shared>>) dst(%arg8 : memref<8192xf32, #tpu.memory_space<vmem>>)
          tpu.yield
        }) : () -> ()
        "tpu.region"() ({
          %run_scoped3A = tpu.sem_alloc : memref<!tpu.dma_semaphore, #tpu.memory_space<semaphore_mem>>
          %dma_start3A = tpu.memref_slice %arg4[%add3A_34] : memref<1048576xf32, #tpu.memory_space<hbm>> -> memref<8192xf32, #tpu.memory_space<hbm>>
          %dma_start3A_35 = tpu.memref_slice %arg4[%add3A_34] : memref<1048576xf32, #tpu.memory_space<hbm>> -> memref<8192xf32, #tpu.memory_space<hbm>>
          tpu.enqueue_dma source(%arg8 : memref<8192xf32, #tpu.memory_space<vmem>>) target(%dma_start3A_35 : memref<8192xf32, #tpu.memory_space<hbm>>) target_semaphore(%run_scoped3A : memref<!tpu.dma_semaphore, #tpu.memory_space<semaphore_mem>>)
          %dma_wait3A = tpu.memref_slice %arg4[%add3A_34] : memref<1048576xf32, #tpu.memory_space<hbm>> -> memref<8192xf32, #tpu.memory_space<hbm>>
          %dma_wait3A_36 = tpu.memref_slice %arg4[%add3A_34] : memref<1048576xf32, #tpu.memory_space<hbm>> -> memref<8192xf32, #tpu.memory_space<hbm>>
          tpu.wait_dma2 semaphore(%run_scoped3A : memref<!tpu.dma_semaphore, #tpu.memory_space<semaphore_mem>>) src(%arg8 : memref<8192xf32, #tpu.memory_space<vmem>>) dst(%dma_wait3A_36 : memref<8192xf32, #tpu.memory_space<hbm>>)
          tpu.yield
        }) : () -> ()
      }
      %scan3A_24 = arith.constant 8 : i32
    } else {
    }
    %eq3A_15 = arith.constant 1 : i32
    %eq3A_16 = arith.cmpi eq, %arg0, %eq3A_15 : i32
    %convert_element_type3A_17 = arith.extui %eq3A_16 : i1 to i32
    %cond3A_18 = arith.constant 0 : i32
    %cond3A_19 = arith.cmpi ne, %convert_element_type3A_17, %cond3A_18 : i32
    scf.if %cond3A_19 {
      %scan3A_20 = arith.constant 0 : i32
      %scan3A_21 = arith.constant 8 : i32
      %scan3A_22 = arith.addi %scan3A_20, %scan3A_21 : i32
      %scan3A_23 = arith.constant 1 : i32
      scf.for %scan3A_25 = %scan3A_20 to %scan3A_22 step %scan3A_23  : i32 {
        %mul3A_26 = arith.constant 1 : i32
        %mul3A_27 = arith.muli %scan3A_25, %mul3A_26 : i32
        %add3A_28 = arith.constant 0 : i32
        %add3A_29 = arith.addi %add3A_28, %mul3A_27 : i32
        %mul3A_30 = arith.constant 65536 : i32
        %mul3A_31 = arith.muli %arg1, %mul3A_30 : i32
        %mul3A_32 = arith.constant 8192 : i32
        %mul3A_33 = arith.muli %add3A_29, %mul3A_32 : i32
        %add3A_34 = arith.addi %mul3A_31, %mul3A_33 : i32
        "tpu.region"() ({
          %run_scoped3A = tpu.sem_alloc : memref<!tpu.dma_semaphore, #tpu.memory_space<semaphore_mem>>
          %dma_start3A = tpu.memref_slice %arg9[%add3A_34] : memref<1048576xf32, #tpu.memory_space<vmem_shared>> -> memref<8192xf32, #tpu.memory_space<vmem_shared>>
          %dma_start3A_35 = tpu.memref_slice %arg9[%add3A_34] : memref<1048576xf32, #tpu.memory_space<vmem_shared>> -> memref<8192xf32, #tpu.memory_space<vmem_shared>>
          tpu.enqueue_dma source(%dma_start3A_35 : memref<8192xf32, #tpu.memory_space<vmem_shared>>) target(%arg8 : memref<8192xf32, #tpu.memory_space<vmem>>) target_semaphore(%run_scoped3A : memref<!tpu.dma_semaphore, #tpu.memory_space<semaphore_mem>>)
          %dma_wait3A = tpu.memref_slice %arg9[%add3A_34] : memref<1048576xf32, #tpu.memory_space<vmem_shared>> -> memref<8192xf32, #tpu.memory_space<vmem_shared>>
          %dma_wait3A_36 = tpu.memref_slice %arg9[%add3A_34] : memref<1048576xf32, #tpu.memory_space<vmem_shared>> -> memref<8192xf32, #tpu.memory_space<vmem_shared>>
          tpu.wait_dma2 semaphore(%run_scoped3A : memref<!tpu.dma_semaphore, #tpu.memory_space<semaphore_mem>>) src(%dma_wait3A_36 : memref<8192xf32, #tpu.memory_space<vmem_shared>>) dst(%arg8 : memref<8192xf32, #tpu.memory_space<vmem>>)
          tpu.yield
        }) : () -> ()
        "tpu.region"() ({
          %run_scoped3A = tpu.sem_alloc : memref<!tpu.dma_semaphore, #tpu.memory_space<semaphore_mem>>
          %dma_start3A = tpu.memref_slice %arg5[%add3A_34] : memref<1048576xf32, #tpu.memory_space<hbm>> -> memref<8192xf32, #tpu.memory_space<hbm>>
          %dma_start3A_35 = tpu.memref_slice %arg5[%add3A_34] : memref<1048576xf32, #tpu.memory_space<hbm>> -> memref<8192xf32, #tpu.memory_space<hbm>>
          tpu.enqueue_dma source(%arg8 : memref<8192xf32, #tpu.memory_space<vmem>>) target(%dma_start3A_35 : memref<8192xf32, #tpu.memory_space<hbm>>) target_semaphore(%run_scoped3A : memref<!tpu.dma_semaphore, #tpu.memory_space<semaphore_mem>>)
          %dma_wait3A = tpu.memref_slice %arg5[%add3A_34] : memref<1048576xf32, #tpu.memory_space<hbm>> -> memref<8192xf32, #tpu.memory_space<hbm>>
          %dma_wait3A_36 = tpu.memref_slice %arg5[%add3A_34] : memref<1048576xf32, #tpu.memory_space<hbm>> -> memref<8192xf32, #tpu.memory_space<hbm>>
          tpu.wait_dma2 semaphore(%run_scoped3A : memref<!tpu.dma_semaphore, #tpu.memory_space<semaphore_mem>>) src(%arg8 : memref<8192xf32, #tpu.memory_space<vmem>>) dst(%dma_wait3A_36 : memref<8192xf32, #tpu.memory_space<hbm>>)
          tpu.yield
        }) : () -> ()
      }
      %scan3A_24 = arith.constant 8 : i32
    } else {
    }
    return
  }
}

#map = affine_map<(d0, d1) -> (0)>
#map1 = affine_map<(d0, d1) -> (0, 0)>
module attributes {stable_mosaic.version = 14 : i64} {
  func.func @_sc_gather_rows(%arg0: i32, %arg1: i32, %arg2: memref<200704xi32, #tpu.memory_space<hbm>>, %arg3: memref<1048576x16xf32, #tpu.memory_space<hbm>>, %arg4: memref<200704x16xf32, #tpu.memory_space<hbm>>, %arg5: memref<6272xi32, #tpu.memory_space<vmem>>, %arg6: memref<3136x16xf32, #tpu.memory_space<vmem>>, %arg7: memref<!tpu.dma_semaphore, #tpu.memory_space<semaphore_mem>>) attributes {dimension_semantics = [#tpu.dimension_semantics<core_parallel>, #tpu.dimension_semantics<subcore_parallel>], iteration_bounds = array<i64: 2, 16>, scalar_prefetch = 0 : i64, scratch_operands = 3 : i64, tpu.core_type = #tpu.core_type<sc_vector_subcore>, window_params = [{transform_indices = #map}, {transform_indices = #map1}, {transform_indices = #map1}]} {
    %mul3A = arith.constant 2 : i32
    %mul3A_0 = arith.muli %arg1, %mul3A : i32
    %add3A = arith.addi %mul3A_0, %arg0 : i32
    %mul3A_1 = arith.constant 6272 : i32
    %mul3A_2 = arith.muli %add3A, %mul3A_1 : i32
    "tpu.region"() ({
      %run_scoped3A = tpu.sem_alloc : memref<!tpu.dma_semaphore, #tpu.memory_space<semaphore_mem>>
      %dma_start3A = tpu.memref_slice %arg2[%mul3A_2] : memref<200704xi32, #tpu.memory_space<hbm>> -> memref<6272xi32, #tpu.memory_space<hbm>>
      %dma_start3A_7 = tpu.memref_slice %arg2[%mul3A_2] : memref<200704xi32, #tpu.memory_space<hbm>> -> memref<6272xi32, #tpu.memory_space<hbm>>
      tpu.enqueue_dma source(%dma_start3A_7 : memref<6272xi32, #tpu.memory_space<hbm>>) target(%arg5 : memref<6272xi32, #tpu.memory_space<vmem>>) target_semaphore(%run_scoped3A : memref<!tpu.dma_semaphore, #tpu.memory_space<semaphore_mem>>)
      %dma_wait3A = tpu.memref_slice %arg2[%mul3A_2] : memref<200704xi32, #tpu.memory_space<hbm>> -> memref<6272xi32, #tpu.memory_space<hbm>>
      %dma_wait3A_8 = tpu.memref_slice %arg2[%mul3A_2] : memref<200704xi32, #tpu.memory_space<hbm>> -> memref<6272xi32, #tpu.memory_space<hbm>>
      tpu.wait_dma2 semaphore(%run_scoped3A : memref<!tpu.dma_semaphore, #tpu.memory_space<semaphore_mem>>) src(%dma_wait3A_8 : memref<6272xi32, #tpu.memory_space<hbm>>) dst(%arg5 : memref<6272xi32, #tpu.memory_space<vmem>>)
      tpu.yield
    }) : () -> ()
    %scan3A = arith.constant 0 : i32
    %scan3A_3 = arith.constant 2 : i32
    %scan3A_4 = arith.addi %scan3A, %scan3A_3 : i32
    %scan3A_5 = arith.constant 1 : i32
    scf.for %scan3A_7 = %scan3A to %scan3A_4 step %scan3A_5  : i32 {
      %mul3A_8 = arith.constant 1 : i32
      %mul3A_9 = arith.muli %scan3A_7, %mul3A_8 : i32
      %add3A_10 = arith.constant 0 : i32
      %add3A_11 = arith.addi %add3A_10, %mul3A_9 : i32
      %mul3A_12 = arith.constant 3136 : i32
      %mul3A_13 = arith.muli %add3A_11, %mul3A_12 : i32
      %dma_start3A = tpu.memref_slice %arg5[%mul3A_13] : memref<6272xi32, #tpu.memory_space<vmem>> -> memref<3136xi32, #tpu.memory_space<vmem>>
      %dma_start3A_14 = arith.constant 0 : i32
      %dma_start3A_15 = arith.constant 0 : i32
      %dma_start3A_16 = tpu.memref_slice %arg3[%dma_start3A_14, %dma_start3A_15] : memref<1048576x16xf32, #tpu.memory_space<hbm>> -> memref<1048576x16xf32, #tpu.memory_space<hbm>>
      tpu.enqueue_indirect_dma source(%dma_start3A_16 : memref<1048576x16xf32, #tpu.memory_space<hbm>>) target(%arg6 : memref<3136x16xf32, #tpu.memory_space<vmem>>) offsets(%dma_start3A : memref<3136xi32, #tpu.memory_space<vmem>>) semaphore(%arg7 : memref<!tpu.dma_semaphore, #tpu.memory_space<semaphore_mem>>)
      %dma_wait3A = tpu.memref_slice %arg5[%mul3A_13] : memref<6272xi32, #tpu.memory_space<vmem>> -> memref<3136xi32, #tpu.memory_space<vmem>>
      %dma_wait3A_17 = arith.constant 0 : i32
      %dma_wait3A_18 = arith.constant 0 : i32
      %dma_wait3A_19 = tpu.memref_slice %arg3[%dma_wait3A_17, %dma_wait3A_18] : memref<1048576x16xf32, #tpu.memory_space<hbm>> -> memref<1048576x16xf32, #tpu.memory_space<hbm>>
      tpu.wait_indirect_dma semaphore(%arg7 : memref<!tpu.dma_semaphore, #tpu.memory_space<semaphore_mem>>) src(%dma_wait3A_19 : memref<1048576x16xf32, #tpu.memory_space<hbm>>) dst(%arg6 : memref<3136x16xf32, #tpu.memory_space<vmem>>)
      %mul3A_20 = arith.constant 3136 : i32
      %mul3A_21 = arith.muli %add3A_11, %mul3A_20 : i32
      %add3A_22 = arith.addi %mul3A_2, %mul3A_21 : i32
      "tpu.region"() ({
        %run_scoped3A = tpu.sem_alloc : memref<!tpu.dma_semaphore, #tpu.memory_space<semaphore_mem>>
        %dma_start3A_23 = arith.constant 0 : i32
        %dma_start3A_24 = tpu.memref_slice %arg4[%add3A_22, %dma_start3A_23] : memref<200704x16xf32, #tpu.memory_space<hbm>> -> memref<3136x16xf32, #tpu.memory_space<hbm>>
        %dma_start3A_25 = arith.constant 0 : i32
        %dma_start3A_26 = tpu.memref_slice %arg4[%add3A_22, %dma_start3A_25] : memref<200704x16xf32, #tpu.memory_space<hbm>> -> memref<3136x16xf32, #tpu.memory_space<hbm>>
        tpu.enqueue_dma source(%arg6 : memref<3136x16xf32, #tpu.memory_space<vmem>>) target(%dma_start3A_26 : memref<3136x16xf32, #tpu.memory_space<hbm>>) target_semaphore(%run_scoped3A : memref<!tpu.dma_semaphore, #tpu.memory_space<semaphore_mem>>)
        %dma_wait3A_27 = arith.constant 0 : i32
        %dma_wait3A_28 = tpu.memref_slice %arg4[%add3A_22, %dma_wait3A_27] : memref<200704x16xf32, #tpu.memory_space<hbm>> -> memref<3136x16xf32, #tpu.memory_space<hbm>>
        %dma_wait3A_29 = arith.constant 0 : i32
        %dma_wait3A_30 = tpu.memref_slice %arg4[%add3A_22, %dma_wait3A_29] : memref<200704x16xf32, #tpu.memory_space<hbm>> -> memref<3136x16xf32, #tpu.memory_space<hbm>>
        tpu.wait_dma2 semaphore(%run_scoped3A : memref<!tpu.dma_semaphore, #tpu.memory_space<semaphore_mem>>) src(%arg6 : memref<3136x16xf32, #tpu.memory_space<vmem>>) dst(%dma_wait3A_30 : memref<3136x16xf32, #tpu.memory_space<hbm>>)
        tpu.yield
      }) : () -> ()
    }
    %scan3A_6 = arith.constant 2 : i32
    return
  }
}

module attributes {stable_mosaic.version = 14 : i64} {
  func.func @body(%arg0: i32, %arg1: memref<16x1024xf32, #tpu.memory_space<vmem>>, %arg2: memref<1x1xf32, #tpu.memory_space<smem>>, %arg3: memref<1024x16xf32, #tpu.memory_space<vmem>>) attributes {dimension_semantics = [#tpu.dimension_semantics<arbitrary>], iteration_bounds = array<i64: 1024>, scalar_prefetch = 0 : i64, scratch_operands = 0 : i64, tpu.core_type = #tpu.core_type<tc>, window_params = [{transform_indices = @transform_0, window_bounds = array<i64: 16, 1024>}, {transform_indices = @transform_1, window_bounds = array<i64: 1, 1>}, {transform_indices = @transform_2, window_bounds = array<i64: 1024, 16>}]} {
    %eq3A = arith.constant 0 : i32
    %eq3A_0 = arith.cmpi eq, %arg0, %eq3A : i32
    %convert_element_type3A = arith.extui %eq3A_0 : i1 to i32
    %cond3A = arith.constant 0 : i32
    %cond3A_1 = arith.cmpi ne, %convert_element_type3A, %cond3A : i32
    scf.if %cond3A_1 {
      %swap3A_19 = arith.constant 0.000000e+00 : f32
      %swap3A_20 = arith.constant 0 : index
      %swap3A_21 = arith.constant 0 : index
      %swap3A_22 = memref.load %arg2[%swap3A_20, %swap3A_21] : memref<1x1xf32, #tpu.memory_space<smem>>
      memref.store %swap3A_19, %arg2[%swap3A_20, %swap3A_21] : memref<1x1xf32, #tpu.memory_space<smem>>
    } else {
    }
    %get3A = arith.constant 0 : index
    %get3A_2 = arith.constant 0 : index
    %get3A_3 = vector.load %arg1[%get3A, %get3A_2] : memref<16x1024xf32, #tpu.memory_space<vmem>>, vector<16x1024xf32>
    %add3A = arith.constant 9.99999971E-10 : f32
    %add3A_4 = vector.broadcast %add3A : f32 to vector<16x1024xf32>
    %add3A_5 = arith.addf %get3A_3, %add3A_4 : vector<16x1024xf32>
    %log3A = math.log %add3A_5 : vector<16x1024xf32>
    %get3A_6 = arith.constant 0 : index
    %get3A_7 = arith.constant 0 : index
    %get3A_8 = memref.load %arg2[%get3A_6, %get3A_7] : memref<1x1xf32, #tpu.memory_space<smem>>
    %reduce_sum3A = vector.shape_cast %log3A : vector<16x1024xf32> to vector<1x16x1024xf32>
    %reduce_sum3A_9 = arith.constant dense<0.000000e+00> : vector<1xf32>
    %reduce_sum3A_10 = vector.multi_reduction <add>, %reduce_sum3A, %reduce_sum3A_9 [1, 2] : vector<1x16x1024xf32> to vector<1xf32>
    %reduce_sum3A_11 = vector.shape_cast %reduce_sum3A_10 : vector<1xf32> to vector<1x1x1xf32>
    %reduce_sum3A_12 = vector.extract %reduce_sum3A_11[0, 0, 0] : f32 from vector<1x1x1xf32>
    %add3A_13 = arith.addf %get3A_8, %reduce_sum3A_12 : f32
    %swap3A = arith.constant 0 : index
    %swap3A_14 = arith.constant 0 : index
    %swap3A_15 = memref.load %arg2[%swap3A, %swap3A_14] : memref<1x1xf32, #tpu.memory_space<smem>>
    memref.store %add3A_13, %arg2[%swap3A, %swap3A_14] : memref<1x1xf32, #tpu.memory_space<smem>>
    %transpose3A = tpu.transpose %log3A, [1, 0] : vector<16x1024xf32> -> vector<1024x16xf32>
    %swap3A_16 = arith.constant 0 : index
    %swap3A_17 = arith.constant 0 : index
    %swap3A_18 = vector.load %arg3[%swap3A_16, %swap3A_17] : memref<1024x16xf32, #tpu.memory_space<vmem>>, vector<1024x16xf32>
    tpu.vector_store %arg3[%swap3A_16, %swap3A_17], %transpose3A {strides = array<i32>} : memref<1024x16xf32, #tpu.memory_space<vmem>>, vector<1024x16xf32>,
    return
  }
  func.func @transform_0(%arg0: i32) -> (i32, i32) {
    %c0_i32 = arith.constant 0 : i32
    %c0_i32_0 = arith.constant 0 : i32
    return %arg0, %c0_i32 : i32, i32
  }
  func.func @transform_1(%arg0: i32) -> (i32, i32) {
    %c0_i32 = arith.constant 0 : i32
    %c0_i32_0 = arith.constant 0 : i32
    %c0_i32_1 = arith.constant 0 : i32
    return %c0_i32, %c0_i32_0 : i32, i32
  }
  func.func @transform_2(%arg0: i32) -> (i32, i32) {
    %c0_i32 = arith.constant 0 : i32
    %c0_i32_0 = arith.constant 0 : i32
    return %arg0, %c0_i32 : i32, i32
  }
}

module attributes {stable_mosaic.version = 14 : i64} {
  func.func @body(%arg0: i32, %arg1: memref<200x128xf32, #tpu.memory_space<vmem>>, %arg2: memref<200x128xf32, #tpu.memory_space<vmem>>, %arg3: memref<200x8xf32, #tpu.memory_space<vmem>>, %arg4: memref<1x1xf32, #tpu.memory_space<smem>>, %arg5: memref<1x1xf32, #tpu.memory_space<smem>>, %arg6: memref<1x1xf32, #tpu.memory_space<smem>>) attributes {dimension_semantics = [#tpu.dimension_semantics<arbitrary>], iteration_bounds = array<i64: 125>, scalar_prefetch = 0 : i64, scratch_operands = 0 : i64, tpu.core_type = #tpu.core_type<tc>, window_params = [{transform_indices = @transform_0, window_bounds = array<i64: 200, 128>}, {transform_indices = @transform_1, window_bounds = array<i64: 200, 128>}, {transform_indices = @transform_2, window_bounds = array<i64: 200, 8>}, {transform_indices = @transform_3, window_bounds = array<i64: 1, 1>}, {transform_indices = @transform_4, window_bounds = array<i64: 1, 1>}, {transform_indices = @transform_5, window_bounds = array<i64: 1, 1>}]} {
    %eq3A = arith.constant 0 : i32
    %eq3A_0 = arith.cmpi eq, %arg0, %eq3A : i32
    %convert_element_type3A = arith.extui %eq3A_0 : i1 to i32
    %cond3A = arith.constant 0 : i32
    %cond3A_1 = arith.cmpi ne, %convert_element_type3A, %cond3A : i32
    scf.if %cond3A_1 {
      %swap3A_77 = arith.constant 0.000000e+00 : f32
      %swap3A_78 = arith.constant 0 : index
      %swap3A_79 = arith.constant 0 : index
      %swap3A_80 = memref.load %arg4[%swap3A_78, %swap3A_79] : memref<1x1xf32, #tpu.memory_space<smem>>
      memref.store %swap3A_77, %arg4[%swap3A_78, %swap3A_79] : memref<1x1xf32, #tpu.memory_space<smem>>
      %swap3A_81 = arith.constant 0.000000e+00 : f32
      %swap3A_82 = arith.constant 0 : index
      %swap3A_83 = arith.constant 0 : index
      %swap3A_84 = memref.load %arg5[%swap3A_82, %swap3A_83] : memref<1x1xf32, #tpu.memory_space<smem>>
      memref.store %swap3A_81, %arg5[%swap3A_82, %swap3A_83] : memref<1x1xf32, #tpu.memory_space<smem>>
      %swap3A_85 = arith.constant 0.000000e+00 : f32
      %swap3A_86 = arith.constant 0 : index
      %swap3A_87 = arith.constant 0 : index
      %swap3A_88 = memref.load %arg6[%swap3A_86, %swap3A_87] : memref<1x1xf32, #tpu.memory_space<smem>>
      memref.store %swap3A_85, %arg6[%swap3A_86, %swap3A_87] : memref<1x1xf32, #tpu.memory_space<smem>>
    } else {
    }
    %get3A = arith.constant 0 : index
    %get3A_2 = arith.constant 0 : index
    %get3A_3 = vector.load %arg1[%get3A, %get3A_2] : memref<200x128xf32, #tpu.memory_space<vmem>>, vector<200x128xf32>
    %get3A_4 = arith.constant 0 : index
    %get3A_5 = arith.constant 0 : index
    %get3A_6 = memref.load %arg4[%get3A_4, %get3A_5] : memref<1x1xf32, #tpu.memory_space<smem>>
    %get3A_7 = arith.constant 0 : index
    %get3A_8 = arith.constant 0 : index
    %get3A_9 = vector.load %arg2[%get3A_7, %get3A_8] : memref<200x128xf32, #tpu.memory_space<vmem>>, vector<200x128xf32>
    %mul3A = arith.mulf %get3A_9, %get3A_3 : vector<200x128xf32>
    %reduce_sum3A = vector.shape_cast %mul3A : vector<200x128xf32> to vector<1x200x128xf32>
    %reduce_sum3A_10 = arith.constant dense<0.000000e+00> : vector<1xf32>
    %reduce_sum3A_11 = vector.multi_reduction <add>, %reduce_sum3A, %reduce_sum3A_10 [1, 2] : vector<1x200x128xf32> to vector<1xf32>
    %reduce_sum3A_12 = vector.shape_cast %reduce_sum3A_11 : vector<1xf32> to vector<1x1x1xf32>
    %reduce_sum3A_13 = vector.extract %reduce_sum3A_12[0, 0, 0] : f32 from vector<1x1x1xf32>
    %add3A = arith.addf %get3A_6, %reduce_sum3A_13 : f32
    %swap3A = arith.constant 0 : index
    %swap3A_14 = arith.constant 0 : index
    %swap3A_15 = memref.load %arg4[%swap3A, %swap3A_14] : memref<1x1xf32, #tpu.memory_space<smem>>
    memref.store %add3A, %arg4[%swap3A, %swap3A_14] : memref<1x1xf32, #tpu.memory_space<smem>>
    %iota3A = tpu.iota {dimensions = array<i32: 1>} : vector<8x128xi32>
    %iota3A_16 = tpu.iota {dimensions = array<i32: 0>} : vector<8x128xi32>
    %jit3A = arith.constant 16 : i32
    %div3A = vector.broadcast %jit3A : i32 to vector<8x128xi32>
    %div3A_17 = arith.divsi %iota3A, %div3A : vector<8x128xi32>
    %sign3A = arith.constant 0 : i32
    %sign3A_18 = vector.broadcast %sign3A : i32 to vector<8x128xi32>
    %sign3A_19 = arith.cmpi sgt, %iota3A, %sign3A_18 : vector<8x128xi32>
    %sign3A_20 = arith.extui %sign3A_19 : vector<8x128xi1> to vector<8x128xi32>
    %sign3A_21 = arith.constant 0 : i32
    %sign3A_22 = vector.broadcast %sign3A_21 : i32 to vector<8x128xi32>
    %sign3A_23 = arith.cmpi slt, %iota3A, %sign3A_22 : vector<8x128xi32>
    %sign3A_24 = arith.extui %sign3A_23 : vector<8x128xi1> to vector<8x128xi32>
    %sign3A_25 = arith.subi %sign3A_20, %sign3A_24 : vector<8x128xi32>
    %sign3A_26 = arith.constant 0 : i32
    %sign3A_27 = arith.cmpi sgt, %jit3A, %sign3A_26 : i32
    %sign3A_28 = arith.extui %sign3A_27 : i1 to i32
    %sign3A_29 = arith.constant 0 : i32
    %sign3A_30 = arith.cmpi slt, %jit3A, %sign3A_29 : i32
    %sign3A_31 = arith.extui %sign3A_30 : i1 to i32
    %sign3A_32 = arith.subi %sign3A_28, %sign3A_31 : i32
    %ne3A = vector.broadcast %sign3A_32 : i32 to vector<8x128xi32>
    %ne3A_33 = arith.cmpi ne, %sign3A_25, %ne3A : vector<8x128xi32>
    %rem3A = vector.broadcast %jit3A : i32 to vector<8x128xi32>
    %rem3A_34 = arith.remsi %iota3A, %rem3A : vector<8x128xi32>
    %ne3A_35 = arith.constant 0 : i32
    %ne3A_36 = vector.broadcast %ne3A_35 : i32 to vector<8x128xi32>
    %ne3A_37 = arith.cmpi ne, %rem3A_34, %ne3A_36 : vector<8x128xi32>
    %and3A = arith.andi %ne3A_33, %ne3A_37 : vector<8x128xi1>
    %sub3A = arith.constant 1 : i32
    %sub3A_38 = vector.broadcast %sub3A : i32 to vector<8x128xi32>
    %sub3A_39 = arith.subi %div3A_17, %sub3A_38 : vector<8x128xi32>
    %select_n3A = arith.select %and3A, %sub3A_39, %div3A_17 : vector<8x128xi1>, vector<8x128xi32>
    %eq3A_40 = arith.cmpi eq, %select_n3A, %iota3A_16 : vector<8x128xi32>
    %jit3A_41 = arith.constant 1.000000e+00 : f32
    %jit3A_42 = arith.constant 0.000000e+00 : f32
    %broadcast_in_dim3A = vector.broadcast %jit3A_41 : f32 to vector<8x128xf32>
    %broadcast_in_dim3A_43 = vector.broadcast %jit3A_42 : f32 to vector<8x128xf32>
    %select_n3A_44 = arith.select %eq3A_40, %broadcast_in_dim3A, %broadcast_in_dim3A_43 : vector<8x128xi1>, vector<8x128xf32>
    %get3A_45 = arith.constant 0 : index
    %get3A_46 = arith.constant 0 : index
    %get3A_47 = vector.load %arg3[%get3A_45, %get3A_46] : memref<200x8xf32, #tpu.memory_space<vmem>>, vector<200x8xf32>
    %dot_general3A = arith.constant dense<0.000000e+00> : vector<200x128xf32>
    %dot_general3A_48 = tpu.matmul %get3A_47, %select_n3A_44, %dot_general3A {dimension_numbers = #tpu.dot_dimension_numbers<[1], [0], [0], [1], [0, 0, 1, 1], [], []>, transpose_lhs_hint = false} : vector<200x8xf32>, vector<8x128xf32>, vector<200x128xf32> -> vector<200x128xf32>
    %get3A_49 = arith.constant 0 : index
    %get3A_50 = arith.constant 0 : index
    %get3A_51 = memref.load %arg5[%get3A_49, %get3A_50] : memref<1x1xf32, #tpu.memory_space<smem>>
    %mul3A_52 = arith.mulf %dot_general3A_48, %get3A_3 : vector<200x128xf32>
    %reduce_sum3A_53 = vector.shape_cast %mul3A_52 : vector<200x128xf32> to vector<1x200x128xf32>
    %reduce_sum3A_54 = arith.constant dense<0.000000e+00> : vector<1xf32>
    %reduce_sum3A_55 = vector.multi_reduction <add>, %reduce_sum3A_53, %reduce_sum3A_54 [1, 2] : vector<1x200x128xf32> to vector<1xf32>
    %reduce_sum3A_56 = vector.shape_cast %reduce_sum3A_55 : vector<1xf32> to vector<1x1x1xf32>
    %reduce_sum3A_57 = vector.extract %reduce_sum3A_56[0, 0, 0] : f32 from vector<1x1x1xf32>
    %add3A_58 = arith.addf %get3A_51, %reduce_sum3A_57 : f32
    %swap3A_59 = arith.constant 0 : index
    %swap3A_60 = arith.constant 0 : index
    %swap3A_61 = memref.load %arg5[%swap3A_59, %swap3A_60] : memref<1x1xf32, #tpu.memory_space<smem>>
    memref.store %add3A_58, %arg5[%swap3A_59, %swap3A_60] : memref<1x1xf32, #tpu.memory_space<smem>>
    %get3A_62 = arith.constant 0 : index
    %get3A_63 = arith.constant 0 : index
    %get3A_64 = memref.load %arg6[%get3A_62, %get3A_63] : memref<1x1xf32, #tpu.memory_space<smem>>
    %get3A_65 = arith.constant 0 : index
    %get3A_66 = arith.constant 0 : index
    %get3A_67 = vector.load %arg3[%get3A_65, %get3A_66] : memref<200x8xf32, #tpu.memory_space<vmem>>, vector<200x8xf32>
    %reduce_sum3A_68 = vector.shape_cast %get3A_67 : vector<200x8xf32> to vector<1x200x8xf32>
    %reduce_sum3A_69 = arith.constant dense<0.000000e+00> : vector<1xf32>
    %reduce_sum3A_70 = vector.multi_reduction <add>, %reduce_sum3A_68, %reduce_sum3A_69 [1, 2] : vector<1x200x8xf32> to vector<1xf32>
    %reduce_sum3A_71 = vector.shape_cast %reduce_sum3A_70 : vector<1xf32> to vector<1x1x1xf32>
    %reduce_sum3A_72 = vector.extract %reduce_sum3A_71[0, 0, 0] : f32 from vector<1x1x1xf32>
    %add3A_73 = arith.addf %get3A_64, %reduce_sum3A_72 : f32
    %swap3A_74 = arith.constant 0 : index
    %swap3A_75 = arith.constant 0 : index
    %swap3A_76 = memref.load %arg6[%swap3A_74, %swap3A_75] : memref<1x1xf32, #tpu.memory_space<smem>>
    memref.store %add3A_73, %arg6[%swap3A_74, %swap3A_75] : memref<1x1xf32, #tpu.memory_space<smem>>
    return
  }
  func.func @transform_0(%arg0: i32) -> (i32, i32) {
    %c0_i32 = arith.constant 0 : i32
    %c0_i32_0 = arith.constant 0 : i32
    return %arg0, %c0_i32 : i32, i32
  }
  func.func @transform_1(%arg0: i32) -> (i32, i32) {
    %c0_i32 = arith.constant 0 : i32
    %c0_i32_0 = arith.constant 0 : i32
    return %arg0, %c0_i32 : i32, i32
  }
  func.func @transform_2(%arg0: i32) -> (i32, i32) {
    %c0_i32 = arith.constant 0 : i32
    %c0_i32_0 = arith.constant 0 : i32
    return %arg0, %c0_i32 : i32, i32
  }
  func.func @transform_3(%arg0: i32) -> (i32, i32) {
    %c0_i32 = arith.constant 0 : i32
    %c0_i32_0 = arith.constant 0 : i32
    %c0_i32_1 = arith.constant 0 : i32
    return %c0_i32, %c0_i32_0 : i32, i32
  }
  func.func @transform_4(%arg0: i32) -> (i32, i32) {
    %c0_i32 = arith.constant 0 : i32
    %c0_i32_0 = arith.constant 0 : i32
    %c0_i32_1 = arith.constant 0 : i32
    return %c0_i32, %c0_i32_0 : i32, i32
  }
  func.func @transform_5(%arg0: i32) -> (i32, i32) {
    %c0_i32 = arith.constant 0 : i32
    %c0_i32_0 = arith.constant 0 : i32
    %c0_i32_1 = arith.constant 0 : i32
    return %c0_i32, %c0_i32_0 : i32, i32
  }
}

</mosaic_0001>

<sc_bundles>
// kernel: kernel.10.cloned.1.call-start
scs
__scs_entry_jumppad:
0x0: {  	(pc) =	sbr.rel $0x88, $3  }
0x1: {  	(tag) =	ssettag $0x0;
	lr =	simm.s32 $0x1  }
0x2: {  	[smem:$0x3F9E] =	sst lr;
	_ =	strace $0xD0000000  }
0x3: {  	_ = 	snop  }
0x4: {  	_ = 	snop  }
0x5: {  	_ = 	snop  }
0x6: {  	_ = 	snop  }
0x7: {  	_ = 	snop  }
__scs_overlays_trampoline_lowered:
0x8: {  	[smem:$0x3FAD] =	sst s0  }
0x9: {  	[smem:$0x3FAE] =	sst s1  }
0xa: {  	[smem:$0x3FAF] =	sst s2  }
0xb: {  	[smem:$0x3FB0] =	sst s3  }
0xc: {  	[smem:$0x3FB1] =	sst s4  }
0xd: {  	[smem:$0x3FB2] =	sst s5  }
0xe: {  	[smem:$0x3FB3] =	sst s6  }
0xf: {  	[smem:$0x3FB4] =	sst s7  }
0x10: {  	[smem:$0x3FB5] =	sst s8  }
0x11: {  	[smem:$0x3FB6] =	sst s9;
	s0 =	simm.s32 @!p0 $0x0  }
0x12: {  	s1 =	sld [smem:$0x3F9C];
	s0 =	simm.s32 @p0 $0x1  }
0x13: {  	[smem:$0x3FB7] =	sst s0;
	s0 =	simm.s32 @!p1 $0x0  }
0x14: {  	s2 =	sld [smem:$0x3F9B];
	s0 =	simm.s32 @p1 $0x1  }
0x15: {  	[smem:$0x3FB8] =	sst s0;
	s0 =	simm.s32 @!p2 $0x0  }
0x16: {  	s3 =	sld [smem:$0x3FDB];
	s0 =	simm.s32 @p2 $0x1  }
0x17: {  	s4 =	simm.s32 $0x1BF5;
	[smem:$0x3FBA] =	sst s0  }
0x18: {  	s0 =	sld [smem:$0x3F9D];
	_ =	swait.ge [sflag:s4], $0x0  }
0x19: {  	s7 =	sld [smem:$0x3F9E]  }
0x1a: {  	s8 =	sadd.s32 $0xFFFFE003, lr  }
0x1b: {  	s9 =	sadd.s32 $0xFFFFFEF7, lr;
	s5 =	simm.s32 $0xFFFFFFFF;
	p2 =	slt.u32 s8, $0xFFFFF086  }
0x1c: {  	p1 =	slt.u32 s9, $0xF7A;
	s5 =	simm.s32 @!p2 $0x0  }
0x1d: {  	s5 =	simm.s32 @p1 $0x1;
	p0 =	seq.s32 s7, s2  }
0x1e: {  	s7 =	smul.u32 @!p0 $0xF7A, s2;
	p2 =	seq.s32 @!p0 s5, $0x0  }
0x1f: {  	s9 =	smul.u32 $0xF7A, s1;
	s8 =	simm.s32 @!p0 $0x1BF5;
	p2 =	por !p2, p0  }
0x20: {  	[sflag:s8] =	ssyncset.s32 @!p0 $0xFFFFF086;
	s6 =	sadd.s32 @!p0 s3, s7;
	s7 =	simm.s32 @!p0 $0x108  }
0x21: {  	s3 =	sadd.s32 s3, s9;
	s6 =	sadd.s32 @!p0 $0x88, s6;
	s7 =	simm.s32 @p2 $0x1082  }
0x22: {  	[simem:s7], [sflag:s8] =	dma.local @!p0 [hbm:s6], $0xF7A  }
0x23: {  	s9 =	sor.u32 $0xD0000000, s2;
	s6 =	simm.s32 $0x108;
	_ =	swait.ge @!p0 [sflag:s8], $0x0  }
0x24: {  	s3 =	sadd.s32 $0x88, s3;
	s6 =	simm.s32 @!p1 $0x1082;
	[sflag:s4] =	ssyncset.s32 $0xFFFFF086  }
0x25: {  	[simem:s6], [sflag:s4] =	dma.local [hbm:s3], $0xF7A  }
0x26: {  	[smem:$0x3F9E] =	sst s1;
	(tag) =	ssettag s2;
	_ =	strace s9  }
0x27: {  	s1 =	sld [smem:$0x3FAE]  }
0x28: {  	s2 =	sld [smem:$0x3FAF]  }
0x29: {  	s4 =	sld [smem:$0x3FB1]  }
0x2a: {  	p0 =	seq.s32 s5, $0x0;
	s5 =	sld [smem:$0x3FB2]  }
0x2b: {  	s6 =	sld [smem:$0x3FB3]  }
0x2c: {  	s7 =	sld [smem:$0x3FB4]  }
0x2d: {  	s3 =	simm.s32 $0x108;
	s8 =	sld [smem:$0x3FB5]  }
0x2e: {  	s3 =	simm.s32 @!p0 $0x1082;
	s9 =	sld [smem:$0x3FB6]  }
0x2f: {  	lr =	sadd.s32 s0, s3;
	s0 =	sld [smem:$0x3FAD]  }
0x30: {  	s3 =	sld [smem:$0x3FB0]  }
0x31: {  	[smem:$0x3FB9] =	sst s10  }
0x32: {  	s10 =	sld [smem:$0x3FB7];
	_ =	sdelay $0x3  }
0x33: {  	p0 =	seq.s32 s10, $0x1;
	s10 =	sld [smem:$0x3FB9];
	_ =	sdelay $0x3  }
0x34: {  	[smem:$0x3FB9] =	sst s10  }
0x35: {  	s10 =	sld [smem:$0x3FB8];
	_ =	sdelay $0x3  }
0x36: {  	p1 =	seq.s32 s10, $0x1;
	s10 =	sld [smem:$0x3FB9];
	_ =	sdelay $0x3  }
0x37: {  	[smem:$0x3FB9] =	sst s10  }
0x38: {  	s10 =	sld [smem:$0x3FBA]  }
0x39: {  	_ = 	snop;
	(pc) =	sbr.ind lr, $3  }
0x3a: {  	_ = 	snop  }
0x3b: {  	_ = 	snop  }
0x3c: {  	p2 =	seq.s32 s10, $0x1;
	s10 =	sld [smem:$0x3FB9]  }
0x3d: {  	_ =	shalt  }
0x3e: {  	_ =	shalt  }
0x3f: {  	_ =	shalt  }
0x40: {  	_ =	shalt  }
0x41: {  	_ =	shalt  }
0x42: {  	_ =	shalt  }
0x43: {  	_ =	shalt  }
0x44: {  	_ =	shalt  }
0x45: {  	_ =	shalt  }
0x46: {  	_ =	shalt  }
0x47: {  	_ =	shalt  }
0x48: {  	_ =	shalt  }
0x49: {  	_ =	shalt  }
0x4a: {  	_ =	shalt  }
0x4b: {  	_ =	shalt  }
0x4c: {  	_ =	shalt  }
0x4d: {  	_ =	shalt  }
0x4e: {  	_ =	shalt  }
0x4f: {  	_ =	shalt  }
0x50: {  	_ =	shalt  }
0x51: {  	_ =	shalt  }
0x52: {  	_ =	shalt  }
0x53: {  	_ =	shalt  }
0x54: {  	_ =	shalt  }
0x55: {  	_ =	shalt  }
0x56: {  	_ =	shalt  }
0x57: {  	_ =	shalt  }
0x58: {  	_ =	shalt  }
0x59: {  	_ =	shalt  }
0x5a: {  	_ =	shalt  }
0x5b: {  	_ =	shalt  }
0x5c: {  	_ =	shalt  }
0x5d: {  	_ =	shalt  }
0x5e: {  	_ =	shalt  }
0x5f: {  	_ =	shalt  }
0x60: {  	_ =	shalt  }
0x61: {  	_ =	shalt  }
0x62: {  	_ =	shalt  }
0x63: {  	_ =	shalt  }
0x64: {  	_ =	shalt  }
0x65: {  	_ =	shalt  }
0x66: {  	_ =	shalt  }
0x67: {  	_ =	shalt  }
0x68: {  	_ =	shalt  }
0x69: {  	_ =	shalt  }
0x6a: {  	_ =	shalt  }
0x6b: {  	_ =	shalt  }
0x6c: {  	_ =	shalt  }
0x6d: {  	_ =	shalt  }
0x6e: {  	_ =	shalt  }
0x6f: {  	_ =	shalt  }
0x70: {  	_ =	shalt  }
0x71: {  	_ =	shalt  }
0x72: {  	_ =	shalt  }
0x73: {  	_ =	shalt  }
0x74: {  	_ =	shalt  }
0x75: {  	_ =	shalt  }
0x76: {  	_ =	shalt  }
0x77: {  	_ =	shalt  }
0x78: {  	_ =	shalt  }
0x79: {  	_ =	shalt  }
0x7a: {  	_ =	shalt  }
0x7b: {  	_ =	shalt  }
0x7c: {  	_ =	shalt  }
0x7d: {  	_ =	shalt  }
0x7e: {  	_ =	shalt  }
0x7f: {  	_ =	shalt  }
0x80: {  	_ =	shalt  }
0x81: {  	_ =	shalt  }
0x82: {  	_ =	shalt  }
0x83: {  	_ =	shalt  }
0x84: {  	_ =	shalt  }
0x85: {  	_ =	shalt  }
0x86: {  	_ =	shalt  }
0x87: {  	_ =	shalt  }
.Lfunc_end0:
.L_simem_size_0:
called_computation.1_lowered:
.L_overlay_start_0:
0x88: {  	s2 =	sld [smem:$0x3FD9]  }
0x89: {  	s3 =	sld [smem:$0x3FFE];
	_ =	sdelay $0x1  }
0x8a: {  	s1 =	srdreg.scid  }
0x8b: {  	s0 =	sand.u32 $0x1, s1  }
0x8c: {  	s16 =	sshll.u32 s0, $0xA;
	s2 =	sadd.s32 s3, s2  }
0x8d: {  	s2 =	sadd.s32 s2, s16  }
0x8e: {  	[smem:$0x3FC5] =	sst s2  }
0x8f: {  	_ = 	snop  }
0x90: {  	(tm) =	ssettm $0x1  }
0x91: {  	s17 =	sld [smem:$0x3FFB];
	_ =	sdelay $0x3  }
0x92: {  	_ =	strace s17  }
0x93: {  	s2 =	sld [smem:$0x3FFC];
	_ =	sdelay $0x3  }
0x94: {  	_ =	strace s2  }
0x95: {  	s2 =	sld [smem:$0x3FFD];
	_ =	sdelay $0x3  }
0x96: {  	_ =	strace s2  }
0x97: {  	_ =	strace $0x8FFFFFFF  }
0x98: {  	s18 =	sld [smem:$0x3FDB];
	_ =	sdelay $0x1  }
0x99: {  	s19 =	simm.s32 $_scs_section_size  }
0x9a: {  	s4 =	simm.s32 $_size__tile_overlayer_lowered;
	s5 =	simm.s32 $_tile_overlayer_lowered  }
0x9b: {  	s22 =	simm.s32 $0x1BFF;
	s21 =	sshll.u32 s5, $0x1;
	s2 =	sadd.s32 s19, s18  }
0x9c: {  	s6 =	simm.s32 $0x0;
	s20 =	sshll.u32 s4, $0x1;
	s4 =	sadd.s32 s21, s2  }
0x9d: {  	[timem:s6], [sflag:s22] =	dma.local [hbm:s4], s20  }
0x9e: {  	_ =	swait.ge [sflag:s22], s20  }
0x9f: {  	s3 =	ssub.s32 $0x0, s20;
	[sflag:s22] =	ssyncset.done $0x0  }
0xa0: {  	[sflag:s22] =	ssyncadd.s32 s3;
	_ =	sdelay $0x1  }
0xa1: {  	s23 =	simm.s32 $0x1B8B  }
0xa2: {  	_ =	swait.ge [sflag:s23], $0x1  }
0xa3: {  	[sflag:s23] =	ssyncset.done $0x0  }
0xa4: {  	s25 =	simm.s32 $0x1B8E;
	s24 =	sld [smem:$0x3FFE];
	[sflag:s23] =	ssyncadd.s32 $0xFFFFFFFF  }
0xa5: {  	s26 =	simm.s32 $execute0_lowered;
	[smem:$0x3FD2] =	sst s25  }
0xa6: {  	s4 =	sshll.u32 s26, $0x1;
	_ =	strace $0x80000049;
	[dreg:$0x1] =	wrdreg $0xFFFFFFFF  }
0xa7: {  	s28 =	simm.s32 $_size_execute0_lowered;
	s2 =	sadd.s32 s2, s4;
	[dreg:$0x0] =	wrdreg $0x0  }
0xa8: {  	s4 =	sshll.u32 s28, $0x1;
	[dreg:$0x2] =	wrdreg s2  }
0xa9: {  	[dreg:$0x3] =	wrdreg s4  }
0xaa: {  	[dreg:$0x4] =	wrdreg $0xC0  }
0xab: {  	_ =	task [dreg:s6], $0x5FFFF  }
0xac: {  	[dreg:$0x1] =	wrdreg $0xFFFFFFFF  }
0xad: {  	[dreg:$0x0] =	wrdreg $0x60  }
0xae: {  	[dreg:$0x2] =	wrdreg s24  }
0xaf: {  	[dreg:$0x3] =	wrdreg $0x9  }
0xb0: {  	_ =	task.clear_ibuf [dreg:s6], $0x4FFFF;
	_ =	strace $0x90000049  }
0xb1: {  	s29 =	simm.s32 $0x9;
	_ =	strace $0x8000004B  }
0xb2: {  	_ =	swait.ge [sflag:s29], $0x1  }
0xb3: {  	[sflag:s29] =	ssyncadd.s32 $0xFFFFFFFF  }
0xb4: {  	_ =	strace $0x9000004B  }
0xb5: {  	_ =	sfence  }
0xb6: {  	s30 =	sld [smem:$0x0];
	_ =	sdelay $0x2  }
0xb7: {  	s31 =	sshll.u32 s1, $0xD;
	s1 =	sshrl.u32 s1, $0x2  }
0xb8: {  	s3 =	sand.u32 $0x4000, s31;
	s1 =	sadd.s32 s1, s30  }
0xb9: {  	s0 =	sor.u32 s3, s0;
	s1 =	sshll.u32 s1, $0x11  }
0xba: {  	s0 =	sor.u32 s1, s0  }
0xbb: {  	s0 =	sadd.s32 $0x8F2B, s0  }
0xbc: {  	[sflag:s0] =	ssyncadd.remote.s32 $0x1  }
0xbd: {  	_ =	sfence.sel $0xFFFF  }
0xbe: {  	[dreg:$0x0] =	wrdreg $0xFFFFFFFF;
	(pc) =	sbr.abs _section_cstart, $3  }
0xbf: {  	[dreg:$0x1] =	wrdreg $0xFFFFFFFF  }
0xc0: {  	_ =	task.clear_ibuf [dreg:s6], $0x2FFFF;
	_ =	strace $0x9FFFFFFF  }
0xc1: {  	(tm) =	ssettm $0x7FFFFFFF  }
tec
execute0_lowered:
.L_overlay_start_1:
0x0: {  	(tag) =	ssettag $0x1  }
0x1: {  	s1 =	srdreg.scid  }
0x2: {  	s0 =	stileid.u32;
	s5 =	rddreg [dreg:$0x0];
	s2 =	simm.s32 $0x0  }
0x3: {  	s8 =	simm.s32 $0x2;
	s9 =	simm.s32 $0x1880;
	s10 =	simm.s32 $0x1  }
0x4: {  	s11 =	simm.s32 $0x3100;
	s4 =	sand.u32 $0x1, s1;
	s3 =	sshll.u32 s0, $0x1  }
0x5: {  	s12 =	simm.s32 $0x0;
	s1 =	rddreg [dreg:$0x1];
	s3 =	sor.u32 s4, s3  }
0x6: {  	[smem:$0x7FF] =	sst s2;
	s7 =	ssub.s32 $0x2, s4;
	s6 =	smul.u32 $0x310, s3  }
0x7: {  	_ =	strace $0x8000004A;
	s4 =	sadd.s32 $0x2D600, s5;
	s31 =	sshrl.u32 s7, $0x1  }
0x8: {  	s3 =	sadd.s32 $0xD600, s5;
	s7 =	ssub.s32 s7, s31;
	s6 =	sadd.s32 s6, s5  }
0x9: {  	s7 =	smax.u32 s7, $0x1;
	s5 =	sadd.s32 $0x1200, s6;
	s6 =	sadd.s32 $0x7400, s6  }
.LBB2_1:
0xa: {  	[tilespmem:s2], [sflag:$0x2] =	stream.linear.gather [hbm4b:s5+s2], $0x1880, $0x38;
	[tilespmem:$0x4980] =	vst v63  }
0xb: {  	_ =	swait.ge [sflag:s8], $0x1880  }
0xc: {  	[sflag:s8] =	ssyncset.done $0x0  }
0xd: {  	[sflag:s8] =	ssyncadd.s32 $0xFFFFE780  }
0xe: {  	[tilespmem:s9], [sflag:$0x1] =	stream.indirect.gather [hbm4b:s3+s9], $0x1, s2, s9, $0xb8;
	[tilespmem:$0x4980] =	vst v63  }
0xf: {  	_ =	swait.ge [sflag:s10], $0x1880  }
0x10: {  	[sflag:s10] =	ssyncset.done $0x0  }
0x11: {  	[sflag:s10] =	ssyncadd.s32 $0xFFFFE780  }
0x12: {  	[tilespmem:s11], [sflag:$0x1] =	stream.indirect.gather [hbm4b:s4+s9], $0x1, s2, s9, $0xb8;
	[tilespmem:$0x4980] =	vst v63  }
0x13: {  	_ =	swait.ge [sflag:s10], $0x1880  }
0x14: {  	[sflag:s10] =	ssyncset.done $0x0  }
0x15: {  	s13 =	simm.s32 $0x0;
	[sflag:s10] =	ssyncadd.s32 $0xFFFFE780  }
0x16: {  	s14 =	simm.s32 $0x40;
	v0 =	vld [tilespmem:s13+$0x3100]  }
.LBB2_2:
0x17: {  	p0 =	sne.s32 s14, $0x61C0;
	v1 =	vld [tilespmem:s13+$0x1880];
	_ =	sdelay $0x4  }
0x18: {  	v0 =	vadd.f32 v0, v1;
	_ =	sdelay $0x1  }
0x19: {  	(erf) = vrcp.f32 v0;
	_ =	sdelay $0x5  }
.Ltmp0:
0x1a: {  	(pc) =	sbr.rel @p0 .LBB2_2-.Ltmp0, $3  }
0x1b: {  	_ =	sdelay $0x1  }
0x1c: {  	s15 =	sshra.s32 s14, $0x2;
	v1 =	vpop (erf)  }
0x1d: {  	s14 =	sadd.s32 $0x40, s14;
	v0 =	vld [tilespmem:s15+$0x3100];
	[tilespmem:s13+$0x1880] =	vst v1;
	s13 =	smov.u32 s15  }
0x1e: {  	v1 =	vld [tilespmem:s13+$0x1880];
	_ =	sdelay $0x4  }
0x1f: {  	v0 =	vadd.f32 v0, v1;
	_ =	sdelay $0x1  }
0x20: {  	(erf) = vrcp.f32 v0;
	_ =	sdelay $0x7  }
0x21: {  	s12 =	sadd.s32 $0x1, s12  }
0x22: {  	p0 =	sne.s32 s12, s7;
	v0 =	vpop (erf)  }
.Ltmp1:
0x23: {  	[tilespmem:s13+$0x1880] =	vst v0;
	(pc) =	sbr.rel @p0 .LBB2_1-.Ltmp1, $4  }
0x24: {  	[hbm4b:s6+s2] =	stream.linear.scatter [tilespmem:s9], [sflag:$0x2], $0x1880, $0x38;
	[tilespmem:$0x4980] =	vst v63  }
0x25: {  	_ =	swait.ge [sflag:s8], $0x1880  }
0x26: {  	[sflag:s8] =	ssyncset.done $0x0  }
0x27: {  	[sflag:s8] =	ssyncadd.s32 $0xFFFFE780  }
0x28: {  	_ =	sfence.sel $0x180000  }
0x29: {  	[bflag:$0x0] =	sbarrier.arrive $0xFFFF  }
0x2a: {  	p0 =	sne.s32 s0, $0x0;
	_ =	strace $0x9000004A  }
0x2b: {  	s0 =	sadd.s32 @!p0 $0x100000, s1;
	[bflag:$0x2] =	sbarrier.arrive $0xFFFF  }
0x2c: {  	[sflag:s0] =	ssyncadd.tile.s32 @!p0 $0x1;
	_ =	shalt  }
.Lfunc_end2:
_tile_overlayer_lowered:
.L_overlay_start_2:
0x2d: {  	(tag) =	ssettag $0x2  }
0x2e: {  	s0 =	rddreg [dreg:$0x0];
	s2 =	stileid.u32  }
0x2f: {  	s1 =	rddreg [dreg:$0x1];
	p0 =	sne.s32 s2, $0x0  }
0x30: {  	s3 =	rddreg [dreg:$0x2];
	[bflag:$0x3] =	sbarrier.arrive $0xFFFF;
	s2 =	simm.s32 @!p0 $0x1C02  }
0x31: {  	[timem:s3], [sflag:s2] =	dma.local @!p0 [hbm:s0], s1  }
0x32: {  	s0 =	simm.s32 @!p0 $0x2  }
0x33: {  	_ =	swait.ge @!p0 [sflag:s0], s1  }
0x34: {  	s1 =	ssub.s32 @!p0 $0x0, s1;
	[sflag:s0] =	ssyncset.done @!p0 $0x0  }
0x35: {  	[sflag:s0] =	ssyncadd.s32 @!p0 s1  }
0x36: {  	[bflag:$0x3] =	sbarrier.arrive $0xFFFF  }
0x37: {  	_ =	shalt  }

// kernel: kernel.13.cloned.1.call-start
scs
__scs_entry_jumppad:
0x0: {  	(pc) =	sbr.rel $0x88, $3  }
0x1: {  	(tag) =	ssettag $0x0;
	lr =	simm.s32 $0x1  }
0x2: {  	[smem:$0x3F9E] =	sst lr;
	_ =	strace $0xD0000000  }
0x3: {  	_ = 	snop  }
0x4: {  	_ = 	snop  }
0x5: {  	_ = 	snop  }
0x6: {  	_ = 	snop  }
0x7: {  	_ = 	snop  }
__scs_overlays_trampoline_lowered:
0x8: {  	[smem:$0x3FAD] =	sst s0  }
0x9: {  	[smem:$0x3FAE] =	sst s1  }
0xa: {  	[smem:$0x3FAF] =	sst s2  }
0xb: {  	[smem:$0x3FB0] =	sst s3  }
0xc: {  	[smem:$0x3FB1] =	sst s4  }
0xd: {  	[smem:$0x3FB2] =	sst s5  }
0xe: {  	[smem:$0x3FB3] =	sst s6  }
0xf: {  	[smem:$0x3FB4] =	sst s7  }
0x10: {  	[smem:$0x3FB5] =	sst s8  }
0x11: {  	[smem:$0x3FB6] =	sst s9;
	s0 =	simm.s32 @!p0 $0x0  }
0x12: {  	s1 =	sld [smem:$0x3F9C];
	s0 =	simm.s32 @p0 $0x1  }
0x13: {  	[smem:$0x3FB7] =	sst s0;
	s0 =	simm.s32 @!p1 $0x0  }
0x14: {  	s2 =	sld [smem:$0x3F9B];
	s0 =	simm.s32 @p1 $0x1  }
0x15: {  	[smem:$0x3FB8] =	sst s0;
	s0 =	simm.s32 @!p2 $0x0  }
0x16: {  	s3 =	sld [smem:$0x3FDB];
	s0 =	simm.s32 @p2 $0x1  }
0x17: {  	s4 =	simm.s32 $0x1BF5;
	[smem:$0x3FBA] =	sst s0  }
0x18: {  	s0 =	sld [smem:$0x3F9D];
	_ =	swait.ge [sflag:s4], $0x0  }
0x19: {  	s7 =	sld [smem:$0x3F9E]  }
0x1a: {  	s8 =	sadd.s32 $0xFFFFE003, lr  }
0x1b: {  	s9 =	sadd.s32 $0xFFFFFEF7, lr;
	s5 =	simm.s32 $0xFFFFFFFF;
	p2 =	slt.u32 s8, $0xFFFFF086  }
0x1c: {  	p1 =	slt.u32 s9, $0xF7A;
	s5 =	simm.s32 @!p2 $0x0  }
0x1d: {  	s5 =	simm.s32 @p1 $0x1;
	p0 =	seq.s32 s7, s2  }
0x1e: {  	s7 =	smul.u32 @!p0 $0xF7A, s2;
	p2 =	seq.s32 @!p0 s5, $0x0  }
0x1f: {  	s9 =	smul.u32 $0xF7A, s1;
	s8 =	simm.s32 @!p0 $0x1BF5;
	p2 =	por !p2, p0  }
0x20: {  	[sflag:s8] =	ssyncset.s32 @!p0 $0xFFFFF086;
	s6 =	sadd.s32 @!p0 s3, s7;
	s7 =	simm.s32 @!p0 $0x108  }
0x21: {  	s3 =	sadd.s32 s3, s9;
	s6 =	sadd.s32 @!p0 $0x88, s6;
	s7 =	simm.s32 @p2 $0x1082  }
0x22: {  	[simem:s7], [sflag:s8] =	dma.local @!p0 [hbm:s6], $0xF7A  }
0x23: {  	s9 =	sor.u32 $0xD0000000, s2;
	s6 =	simm.s32 $0x108;
	_ =	swait.ge @!p0 [sflag:s8], $0x0  }
0x24: {  	s3 =	sadd.s32 $0x88, s3;
	s6 =	simm.s32 @!p1 $0x1082;
	[sflag:s4] =	ssyncset.s32 $0xFFFFF086  }
0x25: {  	[simem:s6], [sflag:s4] =	dma.local [hbm:s3], $0xF7A  }
0x26: {  	[smem:$0x3F9E] =	sst s1;
	(tag) =	ssettag s2;
	_ =	strace s9  }
0x27: {  	s1 =	sld [smem:$0x3FAE]  }
0x28: {  	s2 =	sld [smem:$0x3FAF]  }
0x29: {  	s4 =	sld [smem:$0x3FB1]  }
0x2a: {  	p0 =	seq.s32 s5, $0x0;
	s5 =	sld [smem:$0x3FB2]  }
0x2b: {  	s6 =	sld [smem:$0x3FB3]  }
0x2c: {  	s7 =	sld [smem:$0x3FB4]  }
0x2d: {  	s3 =	simm.s32 $0x108;
	s8 =	sld [smem:$0x3FB5]  }
0x2e: {  	s3 =	simm.s32 @!p0 $0x1082;
	s9 =	sld [smem:$0x3FB6]  }
0x2f: {  	lr =	sadd.s32 s0, s3;
	s0 =	sld [smem:$0x3FAD]  }
0x30: {  	s3 =	sld [smem:$0x3FB0]  }
0x31: {  	[smem:$0x3FB9] =	sst s10  }
0x32: {  	s10 =	sld [smem:$0x3FB7];
	_ =	sdelay $0x3  }
0x33: {  	p0 =	seq.s32 s10, $0x1;
	s10 =	sld [smem:$0x3FB9];
	_ =	sdelay $0x3  }
0x34: {  	[smem:$0x3FB9] =	sst s10  }
0x35: {  	s10 =	sld [smem:$0x3FB8];
	_ =	sdelay $0x3  }
0x36: {  	p1 =	seq.s32 s10, $0x1;
	s10 =	sld [smem:$0x3FB9];
	_ =	sdelay $0x3  }
0x37: {  	[smem:$0x3FB9] =	sst s10  }
0x38: {  	s10 =	sld [smem:$0x3FBA]  }
0x39: {  	_ = 	snop;
	(pc) =	sbr.ind lr, $3  }
0x3a: {  	_ = 	snop  }
0x3b: {  	_ = 	snop  }
0x3c: {  	p2 =	seq.s32 s10, $0x1;
	s10 =	sld [smem:$0x3FB9]  }
0x3d: {  	_ =	shalt  }
0x3e: {  	_ =	shalt  }
0x3f: {  	_ =	shalt  }
0x40: {  	_ =	shalt  }
0x41: {  	_ =	shalt  }
0x42: {  	_ =	shalt  }
0x43: {  	_ =	shalt  }
0x44: {  	_ =	shalt  }
0x45: {  	_ =	shalt  }
0x46: {  	_ =	shalt  }
0x47: {  	_ =	shalt  }
0x48: {  	_ =	shalt  }
0x49: {  	_ =	shalt  }
0x4a: {  	_ =	shalt  }
0x4b: {  	_ =	shalt  }
0x4c: {  	_ =	shalt  }
0x4d: {  	_ =	shalt  }
0x4e: {  	_ =	shalt  }
0x4f: {  	_ =	shalt  }
0x50: {  	_ =	shalt  }
0x51: {  	_ =	shalt  }
0x52: {  	_ =	shalt  }
0x53: {  	_ =	shalt  }
0x54: {  	_ =	shalt  }
0x55: {  	_ =	shalt  }
0x56: {  	_ =	shalt  }
0x57: {  	_ =	shalt  }
0x58: {  	_ =	shalt  }
0x59: {  	_ =	shalt  }
0x5a: {  	_ =	shalt  }
0x5b: {  	_ =	shalt  }
0x5c: {  	_ =	shalt  }
0x5d: {  	_ =	shalt  }
0x5e: {  	_ =	shalt  }
0x5f: {  	_ =	shalt  }
0x60: {  	_ =	shalt  }
0x61: {  	_ =	shalt  }
0x62: {  	_ =	shalt  }
0x63: {  	_ =	shalt  }
0x64: {  	_ =	shalt  }
0x65: {  	_ =	shalt  }
0x66: {  	_ =	shalt  }
0x67: {  	_ =	shalt  }
0x68: {  	_ =	shalt  }
0x69: {  	_ =	shalt  }
0x6a: {  	_ =	shalt  }
0x6b: {  	_ =	shalt  }
0x6c: {  	_ =	shalt  }
0x6d: {  	_ =	shalt  }
0x6e: {  	_ =	shalt  }
0x6f: {  	_ =	shalt  }
0x70: {  	_ =	shalt  }
0x71: {  	_ =	shalt  }
0x72: {  	_ =	shalt  }
0x73: {  	_ =	shalt  }
0x74: {  	_ =	shalt  }
0x75: {  	_ =	shalt  }
0x76: {  	_ =	shalt  }
0x77: {  	_ =	shalt  }
0x78: {  	_ =	shalt  }
0x79: {  	_ =	shalt  }
0x7a: {  	_ =	shalt  }
0x7b: {  	_ =	shalt  }
0x7c: {  	_ =	shalt  }
0x7d: {  	_ =	shalt  }
0x7e: {  	_ =	shalt  }
0x7f: {  	_ =	shalt  }
0x80: {  	_ =	shalt  }
0x81: {  	_ =	shalt  }
0x82: {  	_ =	shalt  }
0x83: {  	_ =	shalt  }
0x84: {  	_ =	shalt  }
0x85: {  	_ =	shalt  }
0x86: {  	_ =	shalt  }
0x87: {  	_ =	shalt  }
.Lfunc_end0:
.L_simem_size_0:
called_computation.2_lowered:
.L_overlay_start_0:
0x88: {  	s2 =	sld [smem:$0x3FD9]  }
0x89: {  	s3 =	sld [smem:$0x3FFE];
	_ =	sdelay $0x1  }
0x8a: {  	s1 =	srdreg.scid  }
0x8b: {  	s0 =	sand.u32 $0x1, s1  }
0x8c: {  	s17 =	sshll.u32 s0, $0xA;
	s2 =	sadd.s32 s3, s2  }
0x8d: {  	s2 =	sadd.s32 s2, s17  }
0x8e: {  	[smem:$0x3FC5] =	sst s2  }
0x8f: {  	_ = 	snop  }
0x90: {  	(tm) =	ssettm $0x1  }
0x91: {  	s18 =	sld [smem:$0x3FFB];
	_ =	sdelay $0x3  }
0x92: {  	_ =	strace s18  }
0x93: {  	s2 =	sld [smem:$0x3FFC];
	_ =	sdelay $0x3  }
0x94: {  	_ =	strace s2  }
0x95: {  	s2 =	sld [smem:$0x3FFD];
	_ =	sdelay $0x3  }
0x96: {  	_ =	strace s2  }
0x97: {  	_ =	strace $0x8FFFFFFF  }
0x98: {  	s19 =	sld [smem:$0x3FDB];
	_ =	sdelay $0x1  }
0x99: {  	s20 =	simm.s32 $_scs_section_size  }
0x9a: {  	s4 =	simm.s32 $_size__tile_overlayer_lowered;
	s5 =	simm.s32 $_tile_overlayer_lowered  }
0x9b: {  	s6 =	simm.s32 $0x1BFF;
	s21 =	sshll.u32 s5, $0x1;
	s3 =	sadd.s32 s20, s19  }
0x9c: {  	s22 =	simm.s32 $0x0;
	s4 =	sshll.u32 s4, $0x1;
	s5 =	sadd.s32 s21, s3  }
0x9d: {  	[timem:s22], [sflag:s6] =	dma.local [hbm:s5], s4  }
0x9e: {  	_ =	swait.ge [sflag:s6], s4  }
0x9f: {  	s4 =	ssub.s32 $0x0, s4;
	[sflag:s6] =	ssyncset.done $0x0  }
0xa0: {  	[sflag:s6] =	ssyncadd.s32 s4;
	_ =	sdelay $0x1  }
0xa1: {  	s23 =	simm.s32 $0x1B8B  }
0xa2: {  	_ =	swait.ge [sflag:s23], $0x1  }
0xa3: {  	[sflag:s23] =	ssyncset.done $0x0  }
0xa4: {  	[sflag:s23] =	ssyncadd.s32 $0xFFFFFFFF  }
0xa5: {  	s4 =	sld [smem:$0x0]  }
0xa6: {  	s5 =	sand.u32 $0xFFFFFFFE, s1  }
0xa7: {  	p0 =	sne.s32 s1, s5  }
0xa8: {  	s5 =	sshll.u32 @p0 s5, $0xE  }
0xa9: {  	s5 =	sadd.s32 @p0 $0x11B8D, s5;
	s6 =	sshll.u32 @p0 s4, $0x11  }
0xaa: {  	s5 =	sor.u32 @p0 s6, s5  }
0xab: {  	[sflag:s5] =	ssyncadd.remote.s32 @p0 $0x1;
	_ =	sdelay $0x1  }
0xac: {  	s5 =	simm.s32 @p0 $0x1B8D  }
0xad: {  	_ =	swait.eq @p0 [sflag:s5], $0x1  }
0xae: {  	[sflag:s5] =	ssyncadd.s32 @p0 $0xFFFFFFFF  }
0xaf: {  	s6 =	sshll.u32 @!p0 s1, $0xE  }
0xb0: {  	s6 =	sor.u32 @!p0 $0x4000, s6;
	s5 =	simm.s32 @!p0 $0x1B8D  }
0xb1: {  	s4 =	sshll.u32 @!p0 s4, $0x11;
	s6 =	sadd.s32 @!p0 $0x11B8D, s6;
	_ =	swait.eq @!p0 [sflag:s5], $0x1  }
0xb2: {  	s4 =	sor.u32 @!p0 s4, s6;
	[sflag:s5] =	ssyncadd.s32 @!p0 $0xFFFFFFFF  }
0xb3: {  	s25 =	simm.s32 $0x1B8E;
	s24 =	sld [smem:$0x3FFE];
	[sflag:s4] =	ssyncadd.remote.s32 @!p0 $0x1  }
0xb4: {  	s26 =	simm.s32 $execute0_lowered;
	[smem:$0x3FD2] =	sst s25  }
0xb5: {  	s5 =	sshll.u32 s26, $0x1;
	_ =	strace $0x8000004C;
	[dreg:$0x1] =	wrdreg $0xFFFFFFFF  }
0xb6: {  	s28 =	simm.s32 $_size_execute0_lowered;
	s3 =	sadd.s32 s3, s5;
	[dreg:$0x0] =	wrdreg $0x0  }
0xb7: {  	s5 =	sshll.u32 s28, $0x1;
	[dreg:$0x2] =	wrdreg s3  }
0xb8: {  	[dreg:$0x3] =	wrdreg s5  }
0xb9: {  	[dreg:$0x4] =	wrdreg $0xC0  }
0xba: {  	_ =	task [dreg:s22], $0x5FFFF  }
0xbb: {  	[dreg:$0x1] =	wrdreg $0xFFFFFFFF  }
0xbc: {  	[dreg:$0x0] =	wrdreg $0x60  }
0xbd: {  	[dreg:$0x2] =	wrdreg s24  }
0xbe: {  	[dreg:$0x3] =	wrdreg $0xA  }
0xbf: {  	_ =	task.clear_ibuf [dreg:s22], $0x4FFFF;
	_ =	strace $0x9000004C  }
0xc0: {  	s29 =	simm.s32 $0xA;
	_ =	strace $0x8000004E  }
0xc1: {  	_ =	swait.ge [sflag:s29], $0x1  }
0xc2: {  	[sflag:s29] =	ssyncadd.s32 $0xFFFFFFFF  }
0xc3: {  	_ =	strace $0x9000004E  }
0xc4: {  	_ =	sfence  }
0xc5: {  	s30 =	sld [smem:$0x0];
	_ =	sdelay $0x2  }
0xc6: {  	s31 =	sshll.u32 s1, $0xD;
	s1 =	sshrl.u32 s1, $0x2  }
0xc7: {  	s4 =	sand.u32 $0x4000, s31;
	s1 =	sadd.s32 s1, s30  }
0xc8: {  	s0 =	sor.u32 s4, s0;
	s1 =	sshll.u32 s1, $0x11  }
0xc9: {  	s0 =	sor.u32 s1, s0  }
0xca: {  	s0 =	sadd.s32 $0x8F2B, s0  }
0xcb: {  	[sflag:s0] =	ssyncadd.remote.s32 $0x1  }
0xcc: {  	_ =	sfence.sel $0xFFFF  }
0xcd: {  	[dreg:$0x0] =	wrdreg $0xFFFFFFFF;
	(pc) =	sbr.abs _section_cstart, $3  }
0xce: {  	[dreg:$0x1] =	wrdreg $0xFFFFFFFF  }
0xcf: {  	_ =	task.clear_ibuf [dreg:s22], $0x2FFFF;
	_ =	strace $0x9FFFFFFF  }
0xd0: {  	(tm) =	ssettm $0x7FFFFFFF  }
0xd1: {  	_ =	shalt  }
tec
execute0_lowered:
.L_overlay_start_1:
0x0: {  	(tag) =	ssettag $0x1  }
0x1: {  	s1 =	srdreg.scid;
	s0 =	stileid.u32  }
0x2: {  	s10 =	sand.u32 $0x1, s1;
	s31 =	sshll.u32 s0, $0x1  }
0x3: {  	s6 =	sor.u32 s10, s31  }
0x4: {  	s9 =	rddreg [dreg:$0x0];
	s3 =	smul.u32 $0x310, s6  }
0x5: {  	s2 =	simm.s32 $0x0;
	s1 =	rddreg [dreg:$0x1]  }
0x6: {  	[smem:$0x7FF] =	sst s2;
	s3 =	sadd.s32 s3, s9  }
0x7: {  	_ =	strace $0x8000004D;
	s4 =	sadd.s32 $0x1200, s3;
	s3 =	simm.s32 $0x2  }
0x8: {  	[tilespmem:s2], [sflag:$0x2] =	stream.linear.gather [hbm4b:s4+s2], $0x1880, $0x38;
	[tilespmem:$0xDC80] =	vst v63  }
0x9: {  	s7 =	simm.s32 $0x1880;
	_ =	swait.ge [sflag:s3], $0x1880  }
0xa: {  	s8 =	simm.s32 $0x1;
	s5 =	sadd.s32 $0x104D600, s9;
	[sflag:s3] =	ssyncset.done $0x0  }
0xb: {  	s11 =	smul.u32 $0x3100, s6;
	s6 =	simm.s32 $0xC40;
	[sflag:s3] =	ssyncadd.s32 $0xFFFFE780  }
0xc: {  	[tilespmem:s7], [sflag:$0x1] =	stream.indirect.gather [hbm4b:s5+s6], $0x10, s2, s6, $0xb8;
	[tilespmem:$0xDC80] =	vst v63  }
0xd: {  	_ =	swait.ge [sflag:s8], $0xC400  }
0xe: {  	s11 =	sadd.s32 s11, s9;
	[sflag:s8] =	ssyncset.done $0x0  }
0xf: {  	s10 =	ssub.s32 $0x2, s10;
	s9 =	sadd.s32 $0x4D600, s11;
	[sflag:s8] =	ssyncadd.s32 $0xFFFF3C00  }
0x10: {  	[hbm4b:s9+s2] =	stream.linear.scatter [tilespmem:s7], [sflag:$0x2], $0xC400, $0x38;
	[tilespmem:$0xDC80] =	vst v63  }
0x11: {  	s12 =	sshrl.u32 s10, $0x1;
	_ =	swait.ge [sflag:s3], $0xC400  }
0x12: {  	s10 =	ssub.s32 s10, s12;
	[sflag:s3] =	ssyncset.done $0x0  }
0x13: {  	s12 =	smax.u32 s10, $0x1;
	[sflag:s3] =	ssyncadd.s32 $0xFFFF3C00  }
0x14: {  	[tilespmem:s7], [sflag:$0x1] =	stream.indirect.gather [hbm4b:s5+s6], $0x10, s6, s6, $0xb8;
	[tilespmem:$0xDC80] =	vst v63  }
0x15: {  	p0 =	sne.s32 s12, $0x1;
	_ =	swait.ge [sflag:s8], $0xC400  }
.Ltmp0:
0x16: {  	[sflag:s8] =	ssyncset.done $0x0;
	(pc) =	sbr.rel @!p0 .LBB2_2-.Ltmp0, $4  }
0x17: {  	s10 =	sadd.s32 $0x4EE80, s11;
	[sflag:s8] =	ssyncadd.s32 $0xFFFF3C00  }
0x18: {  	[hbm4b:s10+s2] =	stream.linear.scatter [tilespmem:s7], [sflag:$0x2], $0xC400, $0x38;
	[tilespmem:$0xDC80] =	vst v63  }
0x19: {  	_ =	swait.ge [sflag:s3], $0xC400  }
0x1a: {  	s11 =	sadd.s32 $0xFFFFFFFF, s12;
	[sflag:s3] =	ssyncset.done $0x0  }
.LBB2_1:
0x1b: {  	p0 =	sne.s32 s11, $0x1;
	s11 =	sadd.s32 $0xFFFFFFFF, s11;
	[sflag:s3] =	ssyncadd.s32 $0xFFFF3C00  }
0x1c: {  	[tilespmem:s2], [sflag:$0x2] =	stream.linear.gather [hbm4b:s4+s2], $0x1880, $0x38;
	[tilespmem:$0xDC80] =	vst v63  }
0x1d: {  	_ =	swait.ge [sflag:s3], $0x1880  }
0x1e: {  	[sflag:s3] =	ssyncset.done $0x0  }
0x1f: {  	[sflag:s3] =	ssyncadd.s32 $0xFFFFE780  }
0x20: {  	[tilespmem:s7], [sflag:$0x1] =	stream.indirect.gather [hbm4b:s5+s6], $0x10, s2, s6, $0xb8;
	[tilespmem:$0xDC80] =	vst v63  }
0x21: {  	_ =	swait.ge [sflag:s8], $0xC400  }
0x22: {  	[sflag:s8] =	ssyncset.done $0x0  }
0x23: {  	[sflag:s8] =	ssyncadd.s32 $0xFFFF3C00  }
0x24: {  	[hbm4b:s9+s2] =	stream.linear.scatter [tilespmem:s7], [sflag:$0x2], $0xC400, $0x38;
	[tilespmem:$0xDC80] =	vst v63  }
0x25: {  	_ =	swait.ge [sflag:s3], $0xC400  }
0x26: {  	[sflag:s3] =	ssyncset.done $0x0  }
0x27: {  	[sflag:s3] =	ssyncadd.s32 $0xFFFF3C00  }
0x28: {  	[tilespmem:s7], [sflag:$0x1] =	stream.indirect.gather [hbm4b:s5+s6], $0x10, s6, s6, $0xb8;
	[tilespmem:$0xDC80] =	vst v63  }
0x29: {  	_ =	swait.ge [sflag:s8], $0xC400  }
.Ltmp1:
0x2a: {  	[sflag:s8] =	ssyncset.done $0x0;
	(pc) =	sbr.rel @p0 .LBB2_1-.Ltmp1, $4  }
0x2b: {  	[sflag:s8] =	ssyncadd.s32 $0xFFFF3C00  }
0x2c: {  	[hbm4b:s10+s2] =	stream.linear.scatter [tilespmem:s7], [sflag:$0x2], $0xC400, $0x38;
	[tilespmem:$0xDC80] =	vst v63  }
0x2d: {  	_ =	swait.ge [sflag:s3], $0xC400  }
0x2e: {  	[sflag:s3] =	ssyncset.done $0x0  }
.LBB2_2:
0x2f: {  	[sflag:s3] =	ssyncadd.s32 $0xFFFF3C00  }
0x30: {  	_ =	sfence.sel $0x180000  }
0x31: {  	[bflag:$0x0] =	sbarrier.arrive $0xFFFF  }
0x32: {  	p0 =	sne.s32 s0, $0x0;
	_ =	strace $0x9000004D  }
0x33: {  	s0 =	sadd.s32 @!p0 $0x100000, s1;
	[bflag:$0x2] =	sbarrier.arrive $0xFFFF  }
0x34: {  	[sflag:s0] =	ssyncadd.tile.s32 @!p0 $0x1;
	_ =	shalt  }
.Lfunc_end2:
_tile_overlayer_lowered:
.L_overlay_start_2:
0x35: {  	(tag) =	ssettag $0x2  }
0x36: {  	s0 =	rddreg [dreg:$0x0];
	s2 =	stileid.u32  }
0x37: {  	s1 =	rddreg [dreg:$0x1];
	p0 =	sne.s32 s2, $0x0  }
0x38: {  	s3 =	rddreg [dreg:$0x2];
	[bflag:$0x3] =	sbarrier.arrive $0xFFFF;
	s2 =	simm.s32 @!p0 $0x1C02  }
0x39: {  	[timem:s3], [sflag:s2] =	dma.local @!p0 [hbm:s0], s1  }
0x3a: {  	s0 =	simm.s32 @!p0 $0x2  }
0x3b: {  	_ =	swait.ge @!p0 [sflag:s0], s1  }
0x3c: {  	s1 =	ssub.s32 @!p0 $0x0, s1;
	[sflag:s0] =	ssyncset.done @!p0 $0x0  }
0x3d: {  	[sflag:s0] =	ssyncadd.s32 @!p0 s1  }
0x3e: {  	[bflag:$0x3] =	sbarrier.arrive $0xFFFF  }
0x3f: {  	_ =	shalt  }

// kernel: kernel.7.cloned.1.call-start
scs
__scs_entry_jumppad:
0x0: {  	(pc) =	sbr.rel $0x88, $3  }
0x1: {  	(tag) =	ssettag $0x0;
	lr =	simm.s32 $0x1  }
0x2: {  	[smem:$0x3F9E] =	sst lr;
	_ =	strace $0xD0000000  }
0x3: {  	_ = 	snop  }
0x4: {  	_ = 	snop  }
0x5: {  	_ = 	snop  }
0x6: {  	_ = 	snop  }
0x7: {  	_ = 	snop  }
__scs_overlays_trampoline_lowered:
0x8: {  	[smem:$0x3FAD] =	sst s0  }
0x9: {  	[smem:$0x3FAE] =	sst s1  }
0xa: {  	[smem:$0x3FAF] =	sst s2  }
0xb: {  	[smem:$0x3FB0] =	sst s3  }
0xc: {  	[smem:$0x3FB1] =	sst s4  }
0xd: {  	[smem:$0x3FB2] =	sst s5  }
0xe: {  	[smem:$0x3FB3] =	sst s6  }
0xf: {  	[smem:$0x3FB4] =	sst s7  }
0x10: {  	[smem:$0x3FB5] =	sst s8  }
0x11: {  	[smem:$0x3FB6] =	sst s9;
	s0 =	simm.s32 @!p0 $0x0  }
0x12: {  	s1 =	sld [smem:$0x3F9C];
	s0 =	simm.s32 @p0 $0x1  }
0x13: {  	[smem:$0x3FB7] =	sst s0;
	s0 =	simm.s32 @!p1 $0x0  }
0x14: {  	s2 =	sld [smem:$0x3F9B];
	s0 =	simm.s32 @p1 $0x1  }
0x15: {  	[smem:$0x3FB8] =	sst s0;
	s0 =	simm.s32 @!p2 $0x0  }
0x16: {  	s3 =	sld [smem:$0x3FDB];
	s0 =	simm.s32 @p2 $0x1  }
0x17: {  	s4 =	simm.s32 $0x1BF5;
	[smem:$0x3FBA] =	sst s0  }
0x18: {  	s0 =	sld [smem:$0x3F9D];
	_ =	swait.ge [sflag:s4], $0x0  }
0x19: {  	s7 =	sld [smem:$0x3F9E]  }
0x1a: {  	s8 =	sadd.s32 $0xFFFFE003, lr  }
0x1b: {  	s9 =	sadd.s32 $0xFFFFFEF7, lr;
	s5 =	simm.s32 $0xFFFFFFFF;
	p2 =	slt.u32 s8, $0xFFFFF086  }
0x1c: {  	p1 =	slt.u32 s9, $0xF7A;
	s5 =	simm.s32 @!p2 $0x0  }
0x1d: {  	s5 =	simm.s32 @p1 $0x1;
	p0 =	seq.s32 s7, s2  }
0x1e: {  	s7 =	smul.u32 @!p0 $0xF7A, s2;
	p2 =	seq.s32 @!p0 s5, $0x0  }
0x1f: {  	s9 =	smul.u32 $0xF7A, s1;
	s8 =	simm.s32 @!p0 $0x1BF5;
	p2 =	por !p2, p0  }
0x20: {  	[sflag:s8] =	ssyncset.s32 @!p0 $0xFFFFF086;
	s6 =	sadd.s32 @!p0 s3, s7;
	s7 =	simm.s32 @!p0 $0x108  }
0x21: {  	s3 =	sadd.s32 s3, s9;
	s6 =	sadd.s32 @!p0 $0x88, s6;
	s7 =	simm.s32 @p2 $0x1082  }
0x22: {  	[simem:s7], [sflag:s8] =	dma.local @!p0 [hbm:s6], $0xF7A  }
0x23: {  	s9 =	sor.u32 $0xD0000000, s2;
	s6 =	simm.s32 $0x108;
	_ =	swait.ge @!p0 [sflag:s8], $0x0  }
0x24: {  	s3 =	sadd.s32 $0x88, s3;
	s6 =	simm.s32 @!p1 $0x1082;
	[sflag:s4] =	ssyncset.s32 $0xFFFFF086  }
0x25: {  	[simem:s6], [sflag:s4] =	dma.local [hbm:s3], $0xF7A  }
0x26: {  	[smem:$0x3F9E] =	sst s1;
	(tag) =	ssettag s2;
	_ =	strace s9  }
0x27: {  	s1 =	sld [smem:$0x3FAE]  }
0x28: {  	s2 =	sld [smem:$0x3FAF]  }
0x29: {  	s4 =	sld [smem:$0x3FB1]  }
0x2a: {  	p0 =	seq.s32 s5, $0x0;
	s5 =	sld [smem:$0x3FB2]  }
0x2b: {  	s6 =	sld [smem:$0x3FB3]  }
0x2c: {  	s7 =	sld [smem:$0x3FB4]  }
0x2d: {  	s3 =	simm.s32 $0x108;
	s8 =	sld [smem:$0x3FB5]  }
0x2e: {  	s3 =	simm.s32 @!p0 $0x1082;
	s9 =	sld [smem:$0x3FB6]  }
0x2f: {  	lr =	sadd.s32 s0, s3;
	s0 =	sld [smem:$0x3FAD]  }
0x30: {  	s3 =	sld [smem:$0x3FB0]  }
0x31: {  	[smem:$0x3FB9] =	sst s10  }
0x32: {  	s10 =	sld [smem:$0x3FB7];
	_ =	sdelay $0x3  }
0x33: {  	p0 =	seq.s32 s10, $0x1;
	s10 =	sld [smem:$0x3FB9];
	_ =	sdelay $0x3  }
0x34: {  	[smem:$0x3FB9] =	sst s10  }
0x35: {  	s10 =	sld [smem:$0x3FB8];
	_ =	sdelay $0x3  }
0x36: {  	p1 =	seq.s32 s10, $0x1;
	s10 =	sld [smem:$0x3FB9];
	_ =	sdelay $0x3  }
0x37: {  	[smem:$0x3FB9] =	sst s10  }
0x38: {  	s10 =	sld [smem:$0x3FBA]  }
0x39: {  	_ = 	snop;
	(pc) =	sbr.ind lr, $3  }
0x3a: {  	_ = 	snop  }
0x3b: {  	_ = 	snop  }
0x3c: {  	p2 =	seq.s32 s10, $0x1;
	s10 =	sld [smem:$0x3FB9]  }
0x3d: {  	_ =	shalt  }
0x3e: {  	_ =	shalt  }
0x3f: {  	_ =	shalt  }
0x40: {  	_ =	shalt  }
0x41: {  	_ =	shalt  }
0x42: {  	_ =	shalt  }
0x43: {  	_ =	shalt  }
0x44: {  	_ =	shalt  }
0x45: {  	_ =	shalt  }
0x46: {  	_ =	shalt  }
0x47: {  	_ =	shalt  }
0x48: {  	_ =	shalt  }
0x49: {  	_ =	shalt  }
0x4a: {  	_ =	shalt  }
0x4b: {  	_ =	shalt  }
0x4c: {  	_ =	shalt  }
0x4d: {  	_ =	shalt  }
0x4e: {  	_ =	shalt  }
0x4f: {  	_ =	shalt  }
0x50: {  	_ =	shalt  }
0x51: {  	_ =	shalt  }
0x52: {  	_ =	shalt  }
0x53: {  	_ =	shalt  }
0x54: {  	_ =	shalt  }
0x55: {  	_ =	shalt  }
0x56: {  	_ =	shalt  }
0x57: {  	_ =	shalt  }
0x58: {  	_ =	shalt  }
0x59: {  	_ =	shalt  }
0x5a: {  	_ =	shalt  }
0x5b: {  	_ =	shalt  }
0x5c: {  	_ =	shalt  }
0x5d: {  	_ =	shalt  }
0x5e: {  	_ =	shalt  }
0x5f: {  	_ =	shalt  }
0x60: {  	_ =	shalt  }
0x61: {  	_ =	shalt  }
0x62: {  	_ =	shalt  }
0x63: {  	_ =	shalt  }
0x64: {  	_ =	shalt  }
0x65: {  	_ =	shalt  }
0x66: {  	_ =	shalt  }
0x67: {  	_ =	shalt  }
0x68: {  	_ =	shalt  }
0x69: {  	_ =	shalt  }
0x6a: {  	_ =	shalt  }
0x6b: {  	_ =	shalt  }
0x6c: {  	_ =	shalt  }
0x6d: {  	_ =	shalt  }
0x6e: {  	_ =	shalt  }
0x6f: {  	_ =	shalt  }
0x70: {  	_ =	shalt  }
0x71: {  	_ =	shalt  }
0x72: {  	_ =	shalt  }
0x73: {  	_ =	shalt  }
0x74: {  	_ =	shalt  }
0x75: {  	_ =	shalt  }
0x76: {  	_ =	shalt  }
0x77: {  	_ =	shalt  }
0x78: {  	_ =	shalt  }
0x79: {  	_ =	shalt  }
0x7a: {  	_ =	shalt  }
0x7b: {  	_ =	shalt  }
0x7c: {  	_ =	shalt  }
0x7d: {  	_ =	shalt  }
0x7e: {  	_ =	shalt  }
0x7f: {  	_ =	shalt  }
0x80: {  	_ =	shalt  }
0x81: {  	_ =	shalt  }
0x82: {  	_ =	shalt  }
0x83: {  	_ =	shalt  }
0x84: {  	_ =	shalt  }
0x85: {  	_ =	shalt  }
0x86: {  	_ =	shalt  }
0x87: {  	_ =	shalt  }
.Lfunc_end0:
.L_simem_size_0:
called_computation_lowered:
.L_overlay_start_0:
0x88: {  	s2 =	sld [smem:$0x3FD9]  }
0x89: {  	s3 =	sld [smem:$0x3FFE];
	_ =	sdelay $0x1  }
0x8a: {  	s1 =	srdreg.scid  }
0x8b: {  	s0 =	sand.u32 $0x1, s1  }
0x8c: {  	s16 =	sshll.u32 s0, $0xA;
	s2 =	sadd.s32 s3, s2  }
0x8d: {  	s2 =	sadd.s32 s2, s16  }
0x8e: {  	[smem:$0x3FC5] =	sst s2  }
0x8f: {  	_ = 	snop  }
0x90: {  	(tm) =	ssettm $0x1  }
0x91: {  	s17 =	sld [smem:$0x3FFB];
	_ =	sdelay $0x3  }
0x92: {  	_ =	strace s17  }
0x93: {  	s2 =	sld [smem:$0x3FFC];
	_ =	sdelay $0x3  }
0x94: {  	_ =	strace s2  }
0x95: {  	s2 =	sld [smem:$0x3FFD];
	_ =	sdelay $0x3  }
0x96: {  	_ =	strace s2  }
0x97: {  	_ =	strace $0x8FFFFFFF  }
0x98: {  	s18 =	sld [smem:$0x3FDB];
	_ =	sdelay $0x1  }
0x99: {  	s19 =	simm.s32 $_scs_section_size  }
0x9a: {  	s4 =	simm.s32 $_size__tile_overlayer_lowered;
	s5 =	simm.s32 $_tile_overlayer_lowered  }
0x9b: {  	s22 =	simm.s32 $0x1BFF;
	s21 =	sshll.u32 s5, $0x1;
	s2 =	sadd.s32 s19, s18  }
0x9c: {  	s6 =	simm.s32 $0x0;
	s20 =	sshll.u32 s4, $0x1;
	s4 =	sadd.s32 s21, s2  }
0x9d: {  	[timem:s6], [sflag:s22] =	dma.local [hbm:s4], s20  }
0x9e: {  	_ =	swait.ge [sflag:s22], s20  }
0x9f: {  	s3 =	ssub.s32 $0x0, s20;
	[sflag:s22] =	ssyncset.done $0x0  }
0xa0: {  	[sflag:s22] =	ssyncadd.s32 s3;
	_ =	sdelay $0x1  }
0xa1: {  	s23 =	simm.s32 $0x1B8B  }
0xa2: {  	_ =	swait.ge [sflag:s23], $0x1  }
0xa3: {  	[sflag:s23] =	ssyncset.done $0x0  }
0xa4: {  	s25 =	simm.s32 $0x1B8E;
	s24 =	sld [smem:$0x3FFE];
	[sflag:s23] =	ssyncadd.s32 $0xFFFFFFFF  }
0xa5: {  	s26 =	simm.s32 $execute0_lowered;
	[smem:$0x3FD2] =	sst s25  }
0xa6: {  	s4 =	sshll.u32 s26, $0x1;
	_ =	strace $0x80000046;
	[dreg:$0x1] =	wrdreg $0xFFFFFFFF  }
0xa7: {  	s28 =	simm.s32 $_size_execute0_lowered;
	s2 =	sadd.s32 s2, s4;
	[dreg:$0x0] =	wrdreg $0x0  }
0xa8: {  	s4 =	sshll.u32 s28, $0x1;
	[dreg:$0x2] =	wrdreg s2  }
0xa9: {  	[dreg:$0x3] =	wrdreg s4  }
0xaa: {  	[dreg:$0x4] =	wrdreg $0xC0  }
0xab: {  	_ =	task [dreg:s6], $0x5FFFF  }
0xac: {  	[dreg:$0x1] =	wrdreg $0xFFFFFFFF  }
0xad: {  	[dreg:$0x0] =	wrdreg $0x60  }
0xae: {  	[dreg:$0x2] =	wrdreg s24  }
0xaf: {  	[dreg:$0x3] =	wrdreg $0x51000  }
0xb0: {  	[dreg:$0x4] =	wrdreg $0x9  }
0xb1: {  	_ =	task.clear_ibuf [dreg:s6], $0x5FFFF;
	_ =	strace $0x90000046  }
0xb2: {  	s29 =	simm.s32 $0x9;
	_ =	strace $0x80000048  }
0xb3: {  	_ =	swait.ge [sflag:s29], $0x1  }
0xb4: {  	[sflag:s29] =	ssyncadd.s32 $0xFFFFFFFF  }
0xb5: {  	_ =	strace $0x90000048  }
0xb6: {  	_ =	sfence  }
0xb7: {  	s30 =	sld [smem:$0x0];
	_ =	sdelay $0x2  }
0xb8: {  	s31 =	sshll.u32 s1, $0xD;
	s1 =	sshrl.u32 s1, $0x2  }
0xb9: {  	s3 =	sand.u32 $0x4000, s31;
	s1 =	sadd.s32 s1, s30  }
0xba: {  	s0 =	sor.u32 s3, s0;
	s1 =	sshll.u32 s1, $0x11  }
0xbb: {  	s0 =	sor.u32 s1, s0  }
0xbc: {  	s0 =	sadd.s32 $0x8F2B, s0  }
0xbd: {  	[sflag:s0] =	ssyncadd.remote.s32 $0x1  }
0xbe: {  	_ =	sfence.sel $0xFFFF  }
0xbf: {  	[dreg:$0x0] =	wrdreg $0xFFFFFFFF;
	(pc) =	sbr.abs _section_cstart, $3  }
0xc0: {  	[dreg:$0x1] =	wrdreg $0xFFFFFFFF  }
0xc1: {  	_ =	task.clear_ibuf [dreg:s6], $0x2FFFF;
	_ =	strace $0x9FFFFFFF  }
0xc2: {  	(tm) =	ssettm $0x7FFFFFFF  }
0xc3: {  	_ =	shalt  }
tec
execute0_lowered:
.L_overlay_start_1:
0x0: {  	(tag) =	ssettag $0x1  }
0x1: {  	s0 =	srdreg.scid;
	s1 =	rddreg [dreg:$0x0]  }
0x2: {  	s10 =	stileid.u32;
	s25 =	rddreg [dreg:$0x1]  }
0x3: {  	s3 =	simm.s32 $0x0;
	s31 =	simm.s32 $0x1;
	s0 =	sand.u32 $0x1, s0  }
0x4: {  	s2 =	sshll.u32 s10, $0x1;
	[smem:$0x7FF] =	sst s3;
	s18 =	sshll.u32 s10, $0x10  }
0x5: {  	s19 =	sshll.u32 s10, $0xD;
	s10 =	simm.s32 $0x2D600;
	s2 =	sor.u32 s0, s2  }
0x6: {  	s4 =	ssub.s32 $0x2, s0;
	_ =	strace $0x80000047;
	s6 =	sadd.s32 s18, s25  }
0x7: {  	p0 =	seq.s32 s0, $0x1;
	s20 =	sor.u32 $0x2000, s18;
	s26 =	sor.u32 $0x4000, s18  }
0x8: {  	s21 =	sor.u32 $0x6000, s18;
	s22 =	sor.u32 $0x8000, s18;
	s23 =	sor.u32 $0xA000, s18  }
0x9: {  	s24 =	sor.u32 $0xC000, s18;
	s0 =	simm.s32 $0x3100;
	s2 =	smul.u32 $0x310, s2  }
0xa: {  	s5 =	sshrl.u32 s4, $0x1;
	s8 =	sadd.s32 $0x2000, s6;
	s9 =	sadd.s32 $0x4000, s6  }
0xb: {  	s11 =	sshrl.u32 s20, $0x3;
	s12 =	sshrl.u32 s26, $0x3;
	s13 =	sshrl.u32 s21, $0x3  }
0xc: {  	s14 =	sshrl.u32 s22, $0x3;
	s15 =	sshrl.u32 s23, $0x3;
	s10 =	simm.s32 @!p0 $0xD600  }
0xd: {  	s16 =	sshrl.u32 s24, $0x3;
	s21 =	sadd.s32 s21, s25;
	s22 =	sadd.s32 s22, s25  }
0xe: {  	s23 =	sadd.s32 s23, s25;
	s24 =	sadd.s32 s24, s25;
	s28 =	sadd.s32 $0xA000, s6  }
0xf: {  	s29 =	sadd.s32 $0xC000, s6;
	s30 =	sadd.s32 $0xE000, s6;
	s4 =	ssub.s32 s4, s5  }
0x10: {  	s5 =	sor.u32 $0xE000, s18;
	s18 =	sadd.s32 $0x6000, s6;
	s2 =	sadd.s32 s2, s1  }
0x11: {  	s7 =	smax.u32 s4, $0x1;
	s1 =	sadd.s32 s10, s1;
	s17 =	sadd.s32 $0x1200, s2  }
0x12: {  	s2 =	sadd.s32 $0x7400, s2;
	s10 =	sadd.s32 s1, s19;
	s11 =	sadd.s32 s1, s11  }
0x13: {  	s12 =	sadd.s32 s1, s12;
	s13 =	sadd.s32 s1, s13;
	s14 =	sadd.s32 s1, s14  }
0x14: {  	s15 =	sadd.s32 s1, s15;
	s16 =	sadd.s32 s1, s16;
	s19 =	sadd.s32 s20, s25  }
0x15: {  	s20 =	sadd.s32 s26, s25;
	s25 =	sadd.s32 s5, s25;
	[dreg:$0x3] =	wrdreg s17  }
0x16: {  	s26 =	sadd.s32 $0x8000, s6;
	[dreg:$0x4] =	wrdreg s2;
	s17 =	sshrl.u32 s5, $0x3  }
0x17: {  	v0 =	vimm.f32 $0.0e+00;
	s2 =	simm.s32 $0x0;
	s17 =	sadd.s32 s1, s17;
	s1 =	simm.s32 $0x1880  }
.LBB2_1:
0x18: {  	s4 =	rddreg [dreg:$0x3]  }
0x19: {  	[tilespmem:s3], [sflag:$0x1] =	stream.linear.gather [hbm4b:s4+s3], $0x1880, $0x38;
	[tilespmem:$0x15100] =	vst v63  }
0x1a: {  	_ =	swait.ge [sflag:s31], $0x1880  }
0x1b: {  	[sflag:s31] =	ssyncset.done $0x0  }
0x1c: {  	s5 =	rddreg [dreg:$0x4];
	[sflag:s31] =	ssyncadd.s32 $0xFFFFE780  }
0x1d: {  	[tilespmem:s1], [sflag:$0x1] =	stream.linear.gather [hbm4b:s5+s3], $0x1880, $0x38;
	[tilespmem:$0x15100] =	vst v63  }
0x1e: {  	_ =	swait.ge [sflag:s31], $0x1880  }
0x1f: {  	[sflag:s31] =	ssyncset.done $0x0  }
0x20: {  	s4 =	simm.s32 $0x40;
	s5 =	simm.s32 $0x0;
	[sflag:s31] =	ssyncadd.s32 $0xFFFFE780  }
.LBB2_2:
0x21: {  	p0 =	sne.s32 s4, $0x7FC0;
	[tilespmem:s5+$0x3100] =	vst v0;
	s5 =	smov.u32 s4;
	s4 =	sadd.s32 $0x40, s4  }
.Ltmp0:
0x22: {  	(pc) =	sbr.rel @p0 .LBB2_2-.Ltmp0, $2  }
0x23: {  	_ =	sdelay $0x2  }
0x24: {  	s5 =	sshra.s32 s5, $0x2  }
0x25: {  	[tilespmem:s5+$0x3100] =	vst v0  }
0x26: {  	[spmem:s6] =	stream.linear.scatter [tilespmem:s0], [sflag:$0x1], $0x2000, $0x38;
	[tilespmem:$0x15100] =	vst v63  }
0x27: {  	_ =	swait.ge [sflag:s31], $0x2000  }
0x28: {  	[sflag:s31] =	ssyncset.done $0x0  }
0x29: {  	[sflag:s31] =	ssyncadd.s32 $0xFFFFE000  }
0x2a: {  	[spmem:s8] =	stream.linear.scatter [tilespmem:s0], [sflag:$0x1], $0x2000, $0x38;
	[tilespmem:$0x15100] =	vst v63  }
0x2b: {  	_ =	swait.ge [sflag:s31], $0x2000  }
0x2c: {  	[sflag:s31] =	ssyncset.done $0x0  }
0x2d: {  	[sflag:s31] =	ssyncadd.s32 $0xFFFFE000  }
0x2e: {  	[spmem:s9] =	stream.linear.scatter [tilespmem:s0], [sflag:$0x1], $0x2000, $0x38;
	[tilespmem:$0x15100] =	vst v63  }
0x2f: {  	_ =	swait.ge [sflag:s31], $0x2000  }
0x30: {  	[sflag:s31] =	ssyncset.done $0x0  }
0x31: {  	[sflag:s31] =	ssyncadd.s32 $0xFFFFE000  }
0x32: {  	[spmem:s18] =	stream.linear.scatter [tilespmem:s0], [sflag:$0x1], $0x2000, $0x38;
	[tilespmem:$0x15100] =	vst v63  }
0x33: {  	_ =	swait.ge [sflag:s31], $0x2000  }
0x34: {  	[sflag:s31] =	ssyncset.done $0x0  }
0x35: {  	[sflag:s31] =	ssyncadd.s32 $0xFFFFE000  }
0x36: {  	[spmem:s26] =	stream.linear.scatter [tilespmem:s0], [sflag:$0x1], $0x2000, $0x38;
	[tilespmem:$0x15100] =	vst v63  }
0x37: {  	_ =	swait.ge [sflag:s31], $0x2000  }
0x38: {  	[sflag:s31] =	ssyncset.done $0x0  }
0x39: {  	[sflag:s31] =	ssyncadd.s32 $0xFFFFE000  }
0x3a: {  	[spmem:s28] =	stream.linear.scatter [tilespmem:s0], [sflag:$0x1], $0x2000, $0x38;
	[tilespmem:$0x15100] =	vst v63  }
0x3b: {  	_ =	swait.ge [sflag:s31], $0x2000  }
0x3c: {  	[sflag:s31] =	ssyncset.done $0x0  }
0x3d: {  	[sflag:s31] =	ssyncadd.s32 $0xFFFFE000  }
0x3e: {  	[spmem:s29] =	stream.linear.scatter [tilespmem:s0], [sflag:$0x1], $0x2000, $0x38;
	[tilespmem:$0x15100] =	vst v63  }
0x3f: {  	_ =	swait.ge [sflag:s31], $0x2000  }
0x40: {  	[sflag:s31] =	ssyncset.done $0x0  }
0x41: {  	[sflag:s31] =	ssyncadd.s32 $0xFFFFE000  }
0x42: {  	[spmem:s30] =	stream.linear.scatter [tilespmem:s0], [sflag:$0x1], $0x2000, $0x38;
	[tilespmem:$0x15100] =	vst v63  }
0x43: {  	_ =	swait.ge [sflag:s31], $0x2000  }
0x44: {  	[sflag:s31] =	ssyncset.done $0x0  }
0x45: {  	[sflag:s31] =	ssyncadd.s32 $0xFFFFE000  }
0x46: {  	[bflag:$0x0] =	sbarrier.arrive $0xFFFF  }
0x47: {  	s4 =	rddreg [dreg:$0x1]  }
0x48: {  	[spmem:s4] =	stream.indirect.scatter.add.f32 [tilespmem:s1], [sflag:$0x1], $0x1, s3, s1, $0xb8;
	[tilespmem:$0x15100] =	vst v63  }
0x49: {  	_ =	swait.ge [sflag:s31], $0x1880  }
0x4a: {  	[sflag:s31] =	ssyncset.done $0x0  }
0x4b: {  	[sflag:s31] =	ssyncadd.s32 $0xFFFFE780  }
0x4c: {  	[bflag:$0x0] =	sbarrier.arrive $0xFFFF  }
0x4d: {  	[tilespmem:s0], [sflag:$0x1] =	stream.linear.gather [spmem:s6], $0x2000, $0x38;
	[tilespmem:$0x15100] =	vst v63  }
0x4e: {  	_ =	swait.ge [sflag:s31], $0x2000  }
0x4f: {  	[sflag:s31] =	ssyncset.done $0x0  }
0x50: {  	[sflag:s31] =	ssyncadd.s32 $0xFFFFE000  }
0x51: {  	[hbm4b:s10+s3] =	stream.linear.scatter [tilespmem:s0], [sflag:$0x1], $0x2000, $0x38;
	[tilespmem:$0x15100] =	vst v63  }
0x52: {  	_ =	swait.ge [sflag:s31], $0x2000  }
0x53: {  	[sflag:s31] =	ssyncset.done $0x0  }
0x54: {  	[sflag:s31] =	ssyncadd.s32 $0xFFFFE000  }
0x55: {  	[tilespmem:s0], [sflag:$0x1] =	stream.linear.gather [spmem:s19], $0x2000, $0x38;
	[tilespmem:$0x15100] =	vst v63  }
0x56: {  	_ =	swait.ge [sflag:s31], $0x2000  }
0x57: {  	[sflag:s31] =	ssyncset.done $0x0  }
0x58: {  	[sflag:s31] =	ssyncadd.s32 $0xFFFFE000  }
0x59: {  	[hbm4b:s11+s3] =	stream.linear.scatter [tilespmem:s0], [sflag:$0x1], $0x2000, $0x38;
	[tilespmem:$0x15100] =	vst v63  }
0x5a: {  	_ =	swait.ge [sflag:s31], $0x2000  }
0x5b: {  	[sflag:s31] =	ssyncset.done $0x0  }
0x5c: {  	[sflag:s31] =	ssyncadd.s32 $0xFFFFE000  }
0x5d: {  	[tilespmem:s0], [sflag:$0x1] =	stream.linear.gather [spmem:s20], $0x2000, $0x38;
	[tilespmem:$0x15100] =	vst v63  }
0x5e: {  	_ =	swait.ge [sflag:s31], $0x2000  }
0x5f: {  	[sflag:s31] =	ssyncset.done $0x0  }
0x60: {  	[sflag:s31] =	ssyncadd.s32 $0xFFFFE000  }
0x61: {  	[hbm4b:s12+s3] =	stream.linear.scatter [tilespmem:s0], [sflag:$0x1], $0x2000, $0x38;
	[tilespmem:$0x15100] =	vst v63  }
0x62: {  	_ =	swait.ge [sflag:s31], $0x2000  }
0x63: {  	[sflag:s31] =	ssyncset.done $0x0  }
0x64: {  	[sflag:s31] =	ssyncadd.s32 $0xFFFFE000  }
0x65: {  	[tilespmem:s0], [sflag:$0x1] =	stream.linear.gather [spmem:s21], $0x2000, $0x38;
	[tilespmem:$0x15100] =	vst v63  }
0x66: {  	_ =	swait.ge [sflag:s31], $0x2000  }
0x67: {  	[sflag:s31] =	ssyncset.done $0x0  }
0x68: {  	[sflag:s31] =	ssyncadd.s32 $0xFFFFE000  }
0x69: {  	[hbm4b:s13+s3] =	stream.linear.scatter [tilespmem:s0], [sflag:$0x1], $0x2000, $0x38;
	[tilespmem:$0x15100] =	vst v63  }
0x6a: {  	_ =	swait.ge [sflag:s31], $0x2000  }
0x6b: {  	[sflag:s31] =	ssyncset.done $0x0  }
0x6c: {  	[sflag:s31] =	ssyncadd.s32 $0xFFFFE000  }
0x6d: {  	[tilespmem:s0], [sflag:$0x1] =	stream.linear.gather [spmem:s22], $0x2000, $0x38;
	[tilespmem:$0x15100] =	vst v63  }
0x6e: {  	_ =	swait.ge [sflag:s31], $0x2000  }
0x6f: {  	[sflag:s31] =	ssyncset.done $0x0  }
0x70: {  	[sflag:s31] =	ssyncadd.s32 $0xFFFFE000  }
0x71: {  	[hbm4b:s14+s3] =	stream.linear.scatter [tilespmem:s0], [sflag:$0x1], $0x2000, $0x38;
	[tilespmem:$0x15100] =	vst v63  }
0x72: {  	_ =	swait.ge [sflag:s31], $0x2000  }
0x73: {  	[sflag:s31] =	ssyncset.done $0x0  }
0x74: {  	[sflag:s31] =	ssyncadd.s32 $0xFFFFE000  }
0x75: {  	[tilespmem:s0], [sflag:$0x1] =	stream.linear.gather [spmem:s23], $0x2000, $0x38;
	[tilespmem:$0x15100] =	vst v63  }
0x76: {  	_ =	swait.ge [sflag:s31], $0x2000  }
0x77: {  	[sflag:s31] =	ssyncset.done $0x0  }
0x78: {  	[sflag:s31] =	ssyncadd.s32 $0xFFFFE000  }
0x79: {  	[hbm4b:s15+s3] =	stream.linear.scatter [tilespmem:s0], [sflag:$0x1], $0x2000, $0x38;
	[tilespmem:$0x15100] =	vst v63  }
0x7a: {  	_ =	swait.ge [sflag:s31], $0x2000  }
0x7b: {  	[sflag:s31] =	ssyncset.done $0x0  }
0x7c: {  	[sflag:s31] =	ssyncadd.s32 $0xFFFFE000  }
0x7d: {  	[tilespmem:s0], [sflag:$0x1] =	stream.linear.gather [spmem:s24], $0x2000, $0x38;
	[tilespmem:$0x15100] =	vst v63  }
0x7e: {  	_ =	swait.ge [sflag:s31], $0x2000  }
0x7f: {  	[sflag:s31] =	ssyncset.done $0x0  }
0x80: {  	[sflag:s31] =	ssyncadd.s32 $0xFFFFE000  }
0x81: {  	[hbm4b:s16+s3] =	stream.linear.scatter [tilespmem:s0], [sflag:$0x1], $0x2000, $0x38;
	[tilespmem:$0x15100] =	vst v63  }
0x82: {  	_ =	swait.ge [sflag:s31], $0x2000  }
0x83: {  	[sflag:s31] =	ssyncset.done $0x0  }
0x84: {  	[sflag:s31] =	ssyncadd.s32 $0xFFFFE000  }
0x85: {  	[tilespmem:s0], [sflag:$0x1] =	stream.linear.gather [spmem:s25], $0x2000, $0x38;
	[tilespmem:$0x15100] =	vst v63  }
0x86: {  	s2 =	sadd.s32 $0x1, s2;
	_ =	swait.ge [sflag:s31], $0x2000  }
0x87: {  	p0 =	sne.s32 s2, s7;
	[sflag:s31] =	ssyncset.done $0x0  }
.Ltmp1:
0x88: {  	[sflag:s31] =	ssyncadd.s32 $0xFFFFE000;
	(pc) =	sbr.rel @p0 .LBB2_1-.Ltmp1, $4  }
0x89: {  	[hbm4b:s17+s3] =	stream.linear.scatter [tilespmem:s0], [sflag:$0x1], $0x2000, $0x38;
	[tilespmem:$0x15100] =	vst v63  }
0x8a: {  	_ =	swait.ge [sflag:s31], $0x2000  }
0x8b: {  	[sflag:s31] =	ssyncset.done $0x0  }
0x8c: {  	[sflag:s31] =	ssyncadd.s32 $0xFFFFE000  }
0x8d: {  	_ =	sfence.sel $0x180000  }
0x8e: {  	[bflag:$0x0] =	sbarrier.arrive $0xFFFF  }
0x8f: {  	_ =	strace $0x90000047  }
0x90: {  	s0 =	stileid.u32;
	[bflag:$0x2] =	sbarrier.arrive $0xFFFF  }
0x91: {  	p0 =	sne.s32 s0, $0x0;
	s0 =	rddreg [dreg:$0x2]  }
0x92: {  	s0 =	sadd.s32 @!p0 $0x100000, s0  }
0x93: {  	[sflag:s0] =	ssyncadd.tile.s32 @!p0 $0x1;
	_ =	shalt  }
.Lfunc_end2:
_tile_overlayer_lowered:
.L_overlay_start_2:
0x94: {  	(tag) =	ssettag $0x2  }
0x95: {  	s0 =	rddreg [dreg:$0x0];
	s2 =	stileid.u32  }
0x96: {  	s1 =	rddreg [dreg:$0x1];
	p0 =	sne.s32 s2, $0x0  }
0x97: {  	s3 =	rddreg [dreg:$0x2];
	[bflag:$0x3] =	sbarrier.arrive $0xFFFF;
	s2 =	simm.s32 @!p0 $0x1C01  }
0x98: {  	[timem:s3], [sflag:s2] =	dma.local @!p0 [hbm:s0], s1  }
0x99: {  	s0 =	simm.s32 @!p0 $0x1  }
0x9a: {  	_ =	swait.ge @!p0 [sflag:s0], s1  }
0x9b: {  	s1 =	ssub.s32 @!p0 $0x0, s1;
	[sflag:s0] =	ssyncset.done @!p0 $0x0  }
0x9c: {  	[sflag:s0] =	ssyncadd.s32 @!p0 s1  }
0x9d: {  	[bflag:$0x3] =	sbarrier.arrive $0xFFFF  }
0x9e: {  	_ =	shalt  }

</sc_bundles>
